<compile_context>
chip_gen: v7x
topology: tpu7x:2x2x1
jax: 0.10.2.dev20260603
libtpu: 0.0.44.dev20260713+nightly
codegen_flags: <defaults>
</compile_context>

<pallas_src>
import functools

import jax
import jax.numpy as jnp
from jax import lax
from jax.experimental import pallas as pl
from jax.experimental.pallas import tpu as pltpu
from jax.experimental.pallas import tpu_sc as plsc

NC = 2
NS = 16
NW = NC * NS
CH = 128


def _round_up(a, b):
    return (a + b - 1) // b * b


def _sc_mesh():
    return plsc.VectorSubcoreMesh(core_axis_name="c", subcore_axis_name="s")


def _make_deg_kernel(n_acc, ept):

    @functools.partial(
        pl.kernel,
        out_type=jax.ShapeDtypeStruct((NW * n_acc,), jnp.float32),
        mesh=_sc_mesh(),
        scratch_types=[
            pltpu.VMEM((n_acc,), jnp.float32),
            pltpu.VMEM((ept,), jnp.int32),
        ],
        compiler_params=pltpu.CompilerParams(needs_layout_passes=False),
    )
    def deg_kernel(dst_hbm, out_hbm, hist_v, dste_v):
        cid = lax.axis_index("c")
        sid = lax.axis_index("s")
        wid = cid * NS + sid
        zero = jnp.zeros((16,), jnp.float32)

        def zbody(i, carry):
            hist_v[pl.ds(i * 16, 16)] = zero
            return carry

        lax.fori_loop(0, n_acc // 16, zbody, 0)

        pltpu.sync_copy(dst_hbm.at[pl.ds(wid * ept, ept)], dste_v)
        ones = jnp.ones((16,), jnp.float32)

        def ebody(i, carry):
            idx = dste_v[pl.ds(i * 16, 16)]
            plsc.addupdate_scatter(hist_v, [idx], ones)
            return carry

        lax.fori_loop(0, ept // 16, ebody, 0)

        pltpu.sync_copy(hist_v, out_hbm.at[pl.ds(wid * n_acc, n_acc)])

    return deg_kernel


def _make_agg_kernel(n_acc, ept, nch, f):
    rpt = n_acc // NS

    @functools.partial(
        pl.kernel,
        out_type=jax.ShapeDtypeStruct((NC * n_acc, f), jnp.float32),
        mesh=_sc_mesh(),
        scratch_types=[
            pltpu.VMEM_SHARED((n_acc, f), jnp.float32),
            pltpu.VMEM((rpt, f), jnp.float32),
            pltpu.VMEM((CH,), jnp.int32),
            pltpu.VMEM((1, CH), jnp.int32),
            pltpu.VMEM((CH, f), jnp.float32),
            pltpu.SemaphoreType.DMA,
        ],
        compiler_params=pltpu.CompilerParams(use_tc_tiling_on_sc=False),
    )
    def agg_kernel(g_hbm, src_hbm, dst_hbm, out_hbm,
                   acc_sh, zrow_v, sidx_v, didx_v, rows_v, sem):
        cid = lax.axis_index("c")
        sid = lax.axis_index("s")
        wid = cid * NS + sid
        zero = jnp.zeros((16,), jnp.float32)

        def zbody(r, carry):
            for j in range(f // 16):
                zrow_v[r, pl.ds(j * 16, 16)] = zero
            return carry

        lax.fori_loop(0, rpt, zbody, 0)
        pltpu.sync_copy(zrow_v, acc_sh.at[pl.ds(sid * rpt, rpt)])
        plsc.subcore_barrier()

        ebase = wid * ept

        def chbody(ci, carry):
            b = ebase + ci * CH
            pltpu.sync_copy(src_hbm.at[pl.ds(b, CH)], sidx_v)
            pltpu.sync_copy(dst_hbm.at[pl.ds(b, CH)], didx_v.at[0])
            pltpu.async_copy(g_hbm.at[sidx_v], rows_v, sem).wait()
            pltpu.sync_copy(rows_v, acc_sh.at[didx_v.at[0]], add=True)
            return carry

        lax.fori_loop(0, nch, chbody, 0)
        plsc.subcore_barrier()

        pltpu.sync_copy(
            acc_sh.at[pl.ds(sid * rpt, rpt)],
            out_hbm.at[pl.ds(cid * n_acc + sid * rpt, rpt)],
        )

    return agg_kernel


def _deg_dinv(hist_blk):
    deg = jnp.sum(hist_blk, axis=0) + 1.0
    return lax.rsqrt(deg)


def _tc1_body(x_ref, w_ref, hist_ref, g1_ref):
    dinv = _deg_dinv(hist_ref[...])
    h = jnp.dot(x_ref[...], w_ref[...], preferred_element_type=jnp.float32)
    g1_ref[...] = h * dinv[:, None]


def _tc2_body(p_ref, g1_ref, hist_ref, w_ref, b_ref, g2_ref):
    dinv = _deg_dinv(hist_ref[...])
    s = (p_ref[0] + p_ref[1] + g1_ref[...]) * dinv[:, None] + b_ref[...]
    a = jnp.maximum(s, 0.0)
    h2 = jnp.dot(a, w_ref[...], preferred_element_type=jnp.float32)
    g2_ref[...] = h2 * dinv[:, None]


def _tc3_body(q_ref, g2_ref, hist_ref, b_ref, out_ref):
    dinv = _deg_dinv(hist_ref[...])
    z = (q_ref[0] + q_ref[1] + g2_ref[...]) * dinv[:, None] + b_ref[...]
    m = jnp.max(z, axis=1, keepdims=True)
    lse = jnp.log(jnp.sum(jnp.exp(z - m), axis=1, keepdims=True))
    out_ref[...] = z - m - lse


def kernel(x, edge_idx, W1, b1, W2, b2):
    n, d = x.shape
    h = W1.shape[1]
    c = W2.shape[1]
    e = edge_idx.shape[1]

    n_acc = _round_up(n + 1, 1024)
    br = 1024
    e_pad = _round_up(e, NW * CH)
    ept = e_pad // NW
    nch = ept // CH

    src = edge_idx[0]
    dst = edge_idx[1]
    pad = e_pad - e
    if pad:
        src = jnp.concatenate([src, jnp.zeros((pad,), jnp.int32)])
        dst = jnp.concatenate([dst, jnp.full((pad,), n, jnp.int32)])
    x_p = jnp.pad(x, ((0, n_acc - n), (0, 0)))
    b1r = b1.reshape(1, h)
    b2r = b2.reshape(1, c)

    hist = _make_deg_kernel(n_acc, ept)(dst).reshape(NW, n_acc)

    grid = (n_acc // br,)

    g1 = pl.pallas_call(
        _tc1_body,
        grid=grid,
        in_specs=[
            pl.BlockSpec((br, d), lambda i: (i, 0)),
            pl.BlockSpec((d, h), lambda i: (0, 0)),
            pl.BlockSpec((NW, br), lambda i: (0, i)),
        ],
        out_specs=pl.BlockSpec((br, h), lambda i: (i, 0)),
        out_shape=jax.ShapeDtypeStruct((n_acc, h), jnp.float32),
    )(x_p, W1, hist)

    p = _make_agg_kernel(n_acc, ept, nch, h)(g1, src, dst)
    p = p.reshape(NC, n_acc, h)

    g2 = pl.pallas_call(
        _tc2_body,
        grid=grid,
        in_specs=[
            pl.BlockSpec((NC, br, h), lambda i: (0, i, 0)),
            pl.BlockSpec((br, h), lambda i: (i, 0)),
            pl.BlockSpec((NW, br), lambda i: (0, i)),
            pl.BlockSpec((h, c), lambda i: (0, 0)),
            pl.BlockSpec((1, h), lambda i: (0, 0)),
        ],
        out_specs=pl.BlockSpec((br, c), lambda i: (i, 0)),
        out_shape=jax.ShapeDtypeStruct((n_acc, c), jnp.float32),
    )(p, g1, hist, W2, b1r)

    q = _make_agg_kernel(n_acc, ept, nch, c)(g2, src, dst)
    q = q.reshape(NC, n_acc, c)

    out = pl.pallas_call(
        _tc3_body,
        grid=grid,
        in_specs=[
            pl.BlockSpec((NC, br, c), lambda i: (0, i, 0)),
            pl.BlockSpec((br, c), lambda i: (i, 0)),
            pl.BlockSpec((NW, br), lambda i: (0, i)),
            pl.BlockSpec((1, c), lambda i: (0, 0)),
        ],
        out_specs=pl.BlockSpec((br, c), lambda i: (i, 0)),
        out_shape=jax.ShapeDtypeStruct((n_acc, c), jnp.float32),
    )(q, g2, hist, b2r)

    return out[:n]

# --- scband reference (transcript-rebuilt; emitter-appended) ---
"""Pipeline reference for scband-gcn-14362370638206 (READ-ONLY COPY).

The authoritative reference and input builder live on the scoring server;
editing this copy changes nothing except your own understanding.
"""

import jax, jax.numpy as jnp
import numpy as np

N = 10000
E = 320000
D = 128
H = 64
C = 16


def setup_inputs(seed: int = 0) -> dict:
    key = jax.random.key(seed)
    k1, k2, k3, k4 = jax.random.split(key, 4)
    x = jax.random.normal(k1, (N, D), dtype=jnp.float32)
    edge_idx = jax.random.randint(k2, (2, E), 0, N, dtype=jnp.int32)
    # Glorot-initialized GCN layer weights (PyG GCNConv default init)
    W1 = jax.random.normal(k3, (D, H), dtype=jnp.float32) * np.sqrt(2.0 / (D + H))
    b1 = jnp.zeros((H,), dtype=jnp.float32)
    W2 = jax.random.normal(k4, (H, C), dtype=jnp.float32) * np.sqrt(2.0 / (H + C))
    b2 = jnp.zeros((C,), dtype=jnp.float32)
    return {"x": x, "edge_idx": edge_idx, "W1": W1, "b1": b1, "W2": W2, "b2": b2}


def _gcn_conv(x, W, b, src, dst, norm, n):
    h = x @ W
    msg = jnp.take(h, src, axis=0) * norm[:, None]
    out = jnp.zeros((n, h.shape[1]), dtype=h.dtype).at[dst].add(msg)
    return out + b


def reference(x, edge_idx, W1, b1, W2, b2):
    n = x.shape[0]
    # gcn_norm: add self-loops, symmetric deg^{-1/2} A deg^{-1/2}
    loop = jnp.arange(n, dtype=edge_idx.dtype)
    src = jnp.concatenate([edge_idx[0], loop])
    dst = jnp.concatenate([edge_idx[1], loop])
    w = jnp.ones(src.shape[0], dtype=jnp.float32)
    deg = jnp.zeros(n, dtype=jnp.float32).at[dst].add(w)
    dinv = jnp.where(deg > 0, jax.lax.rsqrt(jnp.maximum(deg, 1e-12)), 0.0)
    norm = dinv[src] * w * dinv[dst]
    # layer 1: GCNConv(128 -> 64) + ReLU (dropout p=0.0 / eval -> identity)
    h = _gcn_conv(x, W1, b1, src, dst, norm, n)
    h = jax.nn.relu(h)
    # layer 2: GCNConv(64 -> 16) + LogSoftmax
    out = _gcn_conv(h, W2, b2, src, dst, norm, n)
    return jax.nn.log_softmax(out, axis=1)

if __name__ == "__main__":
    import jax
    _d = setup_inputs()
    print(jax.jit(kernel)(*tuple(_d.values())))

</pallas_src>

<mosaic_0001>
#map = affine_map<(d0, d1) -> (0)>
module attributes {stable_mosaic.version = 14 : i64} {
  func.func @deg_kernel(%arg0: i32, %arg1: i32, %arg2: memref<323584xi32, #tpu.memory_space<hbm>>, %arg3: memref<327680xf32, #tpu.memory_space<hbm>>, %arg4: memref<10240xf32, #tpu.memory_space<vmem>>, %arg5: memref<10112xi32, #tpu.memory_space<vmem>>) attributes {dimension_semantics = [#tpu.dimension_semantics<core_parallel>, #tpu.dimension_semantics<subcore_parallel>], iteration_bounds = array<i64: 2, 16>, scalar_prefetch = 0 : i64, scratch_operands = 2 : i64, tpu.core_type = #tpu.core_type<sc_vector_subcore>, window_params = [{transform_indices = #map}, {transform_indices = #map}]} {
    %mul3A = arith.constant 16 : i32
    %mul3A_0 = arith.muli %arg0, %mul3A : i32
    %add3A = arith.addi %mul3A_0, %arg1 : i32
    %broadcast_in_dim3A = arith.constant 0.000000e+00 : f32
    %broadcast_in_dim3A_1 = vector.broadcast %broadcast_in_dim3A : f32 to vector<16xf32>
    %scan3A = arith.constant 0 : i32
    %scan3A_2 = arith.constant 0 : i32
    %scan3A_3 = arith.constant 640 : i32
    %scan3A_4 = arith.addi %scan3A_2, %scan3A_3 : i32
    %scan3A_5 = arith.constant 1 : i32
    scf.for %scan3A_19 = %scan3A_2 to %scan3A_4 step %scan3A_5  : i32 {
      %mul3A_20 = arith.constant 16 : i32
      %mul3A_21 = arith.muli %scan3A_19, %mul3A_20 : i32
      %swap3A = arith.index_cast %mul3A_21 : i32 to index
      %swap3A_22 = tpu.vector_load %arg4[%swap3A] {strides = array<i32>} : memref<10240xf32, #tpu.memory_space<vmem>>, vector<16xf32>,
      tpu.vector_store %arg4[%swap3A], %broadcast_in_dim3A_1 {strides = array<i32>} : memref<10240xf32, #tpu.memory_space<vmem>>, vector<16xf32>,
    }
    %scan3A_6 = arith.constant 640 : i32
    %mul3A_7 = arith.constant 10112 : i32
    %mul3A_8 = arith.muli %add3A, %mul3A_7 : i32
    "tpu.region"() ({
      %run_scoped3A = tpu.sem_alloc : memref<!tpu.dma_semaphore, #tpu.memory_space<semaphore_mem>>
      %dma_start3A = tpu.memref_slice %arg2[%mul3A_8] : memref<323584xi32, #tpu.memory_space<hbm>> -> memref<10112xi32, #tpu.memory_space<hbm>>
      %dma_start3A_19 = tpu.memref_slice %arg2[%mul3A_8] : memref<323584xi32, #tpu.memory_space<hbm>> -> memref<10112xi32, #tpu.memory_space<hbm>>
      tpu.enqueue_dma source(%dma_start3A_19 : memref<10112xi32, #tpu.memory_space<hbm>>) target(%arg5 : memref<10112xi32, #tpu.memory_space<vmem>>) target_semaphore(%run_scoped3A : memref<!tpu.dma_semaphore, #tpu.memory_space<semaphore_mem>>)
      %dma_wait3A = tpu.memref_slice %arg2[%mul3A_8] : memref<323584xi32, #tpu.memory_space<hbm>> -> memref<10112xi32, #tpu.memory_space<hbm>>
      %dma_wait3A_20 = tpu.memref_slice %arg2[%mul3A_8] : memref<323584xi32, #tpu.memory_space<hbm>> -> memref<10112xi32, #tpu.memory_space<hbm>>
      tpu.wait_dma2 semaphore(%run_scoped3A : memref<!tpu.dma_semaphore, #tpu.memory_space<semaphore_mem>>) src(%dma_wait3A_20 : memref<10112xi32, #tpu.memory_space<hbm>>) dst(%arg5 : memref<10112xi32, #tpu.memory_space<vmem>>)
      tpu.yield
    }) : () -> ()
    %broadcast_in_dim3A_9 = arith.constant 1.000000e+00 : f32
    %broadcast_in_dim3A_10 = vector.broadcast %broadcast_in_dim3A_9 : f32 to vector<16xf32>
    %scan3A_11 = arith.constant 0 : i32
    %scan3A_12 = arith.constant 0 : i32
    %scan3A_13 = arith.constant 632 : i32
    %scan3A_14 = arith.addi %scan3A_12, %scan3A_13 : i32
    %scan3A_15 = arith.constant 1 : i32
    scf.for %scan3A_19 = %scan3A_12 to %scan3A_14 step %scan3A_15  : i32 {
      %mul3A_20 = arith.constant 16 : i32
      %mul3A_21 = arith.muli %scan3A_19, %mul3A_20 : i32
      %get3A = arith.index_cast %mul3A_21 : i32 to index
      %get3A_22 = tpu.vector_load %arg5[%get3A] {strides = array<i32>} : memref<10112xi32, #tpu.memory_space<vmem>>, vector<16xi32>,
      tpu.vector_store_idx %arg4[%get3A_22], %broadcast_in_dim3A_10 {add = true} : memref<10240xf32, #tpu.memory_space<vmem>>[vector<16xi32>], vector<16xf32>,
    }
    %scan3A_16 = arith.constant 632 : i32
    %mul3A_17 = arith.constant 10240 : i32
    %mul3A_18 = arith.muli %add3A, %mul3A_17 : i32
    "tpu.region"() ({
      %run_scoped3A = tpu.sem_alloc : memref<!tpu.dma_semaphore, #tpu.memory_space<semaphore_mem>>
      %dma_start3A = tpu.memref_slice %arg3[%mul3A_18] : memref<327680xf32, #tpu.memory_space<hbm>> -> memref<10240xf32, #tpu.memory_space<hbm>>
      %dma_start3A_19 = tpu.memref_slice %arg3[%mul3A_18] : memref<327680xf32, #tpu.memory_space<hbm>> -> memref<10240xf32, #tpu.memory_space<hbm>>
      tpu.enqueue_dma source(%arg4 : memref<10240xf32, #tpu.memory_space<vmem>>) target(%dma_start3A_19 : memref<10240xf32, #tpu.memory_space<hbm>>) target_semaphore(%run_scoped3A : memref<!tpu.dma_semaphore, #tpu.memory_space<semaphore_mem>>)
      %dma_wait3A = tpu.memref_slice %arg3[%mul3A_18] : memref<327680xf32, #tpu.memory_space<hbm>> -> memref<10240xf32, #tpu.memory_space<hbm>>
      %dma_wait3A_20 = tpu.memref_slice %arg3[%mul3A_18] : memref<327680xf32, #tpu.memory_space<hbm>> -> memref<10240xf32, #tpu.memory_space<hbm>>
      tpu.wait_dma2 semaphore(%run_scoped3A : memref<!tpu.dma_semaphore, #tpu.memory_space<semaphore_mem>>) src(%arg4 : memref<10240xf32, #tpu.memory_space<vmem>>) dst(%dma_wait3A_20 : memref<10240xf32, #tpu.memory_space<hbm>>)
      tpu.yield
    }) : () -> ()
    return
  }
}

#map = affine_map<(d0, d1) -> (0, 0)>
#map1 = affine_map<(d0, d1) -> (0)>
module attributes {stable_mosaic.version = 14 : i64} {
  func.func @agg_kernel(%arg0: i32, %arg1: i32, %arg2: memref<10240x64xf32, #tpu.memory_space<hbm>>, %arg3: memref<323584xi32, #tpu.memory_space<hbm>>, %arg4: memref<323584xi32, #tpu.memory_space<hbm>>, %arg5: memref<20480x64xf32, #tpu.memory_space<hbm>>, %arg6: memref<10240x64xf32, #tpu.memory_space<vmem_shared>>, %arg7: memref<640x64xf32, #tpu.memory_space<vmem>>, %arg8: memref<128xi32, #tpu.memory_space<vmem>>, %arg9: memref<1x128xi32, #tpu.memory_space<vmem>>, %arg10: memref<128x64xf32, #tpu.memory_space<vmem>>, %arg11: memref<!tpu.dma_semaphore, #tpu.memory_space<semaphore_mem>>) attributes {dimension_semantics = [#tpu.dimension_semantics<core_parallel>, #tpu.dimension_semantics<subcore_parallel>], iteration_bounds = array<i64: 2, 16>, scalar_prefetch = 0 : i64, scratch_operands = 6 : i64, tpu.core_type = #tpu.core_type<sc_vector_subcore>, window_params = [{transform_indices = #map}, {transform_indices = #map1}, {transform_indices = #map1}, {transform_indices = #map}]} {
    %mul3A = arith.constant 16 : i32
    %mul3A_0 = arith.muli %arg0, %mul3A : i32
    %add3A = arith.addi %mul3A_0, %arg1 : i32
    %broadcast_in_dim3A = arith.constant 0.000000e+00 : f32
    %broadcast_in_dim3A_1 = vector.broadcast %broadcast_in_dim3A : f32 to vector<16xf32>
    %scan3A = arith.constant 0 : i32
    %scan3A_2 = arith.constant 0 : i32
    %scan3A_3 = arith.constant 640 : i32
    %scan3A_4 = arith.addi %scan3A_2, %scan3A_3 : i32
    %scan3A_5 = arith.constant 1 : i32
    scf.for %scan3A_25 = %scan3A_2 to %scan3A_4 step %scan3A_5  : i32 {
      %swap3A = arith.index_cast %scan3A_25 : i32 to index
      %swap3A_26 = arith.constant 0 : index
      %swap3A_27 = tpu.vector_load %arg7[%swap3A, %swap3A_26] {strides = array<i32>} : memref<640x64xf32, #tpu.memory_space<vmem>>, vector<1x16xf32>,
      %swap3A_28 = vector.shape_cast %swap3A_27 : vector<1x16xf32> to vector<16xf32>
      %swap3A_29 = vector.shape_cast %broadcast_in_dim3A_1 : vector<16xf32> to vector<1x16xf32>
      tpu.vector_store %arg7[%swap3A, %swap3A_26], %swap3A_29 {strides = array<i32>} : memref<640x64xf32, #tpu.memory_space<vmem>>, vector<1x16xf32>,
      %swap3A_30 = arith.index_cast %scan3A_25 : i32 to index
      %swap3A_31 = arith.constant 16 : index
      %swap3A_32 = tpu.vector_load %arg7[%swap3A_30, %swap3A_31] {strides = array<i32>} : memref<640x64xf32, #tpu.memory_space<vmem>>, vector<1x16xf32>,
      %swap3A_33 = vector.shape_cast %swap3A_32 : vector<1x16xf32> to vector<16xf32>
      %swap3A_34 = vector.shape_cast %broadcast_in_dim3A_1 : vector<16xf32> to vector<1x16xf32>
      tpu.vector_store %arg7[%swap3A_30, %swap3A_31], %swap3A_34 {strides = array<i32>} : memref<640x64xf32, #tpu.memory_space<vmem>>, vector<1x16xf32>,
      %swap3A_35 = arith.index_cast %scan3A_25 : i32 to index
      %swap3A_36 = arith.constant 32 : index
      %swap3A_37 = tpu.vector_load %arg7[%swap3A_35, %swap3A_36] {strides = array<i32>} : memref<640x64xf32, #tpu.memory_space<vmem>>, vector<1x16xf32>,
      %swap3A_38 = vector.shape_cast %swap3A_37 : vector<1x16xf32> to vector<16xf32>
      %swap3A_39 = vector.shape_cast %broadcast_in_dim3A_1 : vector<16xf32> to vector<1x16xf32>
      tpu.vector_store %arg7[%swap3A_35, %swap3A_36], %swap3A_39 {strides = array<i32>} : memref<640x64xf32, #tpu.memory_space<vmem>>, vector<1x16xf32>,
      %swap3A_40 = arith.index_cast %scan3A_25 : i32 to index
      %swap3A_41 = arith.constant 48 : index
      %swap3A_42 = tpu.vector_load %arg7[%swap3A_40, %swap3A_41] {strides = array<i32>} : memref<640x64xf32, #tpu.memory_space<vmem>>, vector<1x16xf32>,
      %swap3A_43 = vector.shape_cast %swap3A_42 : vector<1x16xf32> to vector<16xf32>
      %swap3A_44 = vector.shape_cast %broadcast_in_dim3A_1 : vector<16xf32> to vector<1x16xf32>
      tpu.vector_store %arg7[%swap3A_40, %swap3A_41], %swap3A_44 {strides = array<i32>} : memref<640x64xf32, #tpu.memory_space<vmem>>, vector<1x16xf32>,
    }
    %scan3A_6 = arith.constant 640 : i32
    %mul3A_7 = arith.constant 640 : i32
    %mul3A_8 = arith.muli %arg1, %mul3A_7 : i32
    "tpu.region"() ({
      %run_scoped3A = tpu.sem_alloc : memref<!tpu.dma_semaphore, #tpu.memory_space<semaphore_mem>>
      %dma_start3A = arith.constant 0 : i32
      %dma_start3A_25 = tpu.memref_slice %arg6[%mul3A_8, %dma_start3A] : memref<10240x64xf32, #tpu.memory_space<vmem_shared>> -> memref<640x64xf32, #tpu.memory_space<vmem_shared>>
      %dma_start3A_26 = arith.constant 0 : i32
      %dma_start3A_27 = tpu.memref_slice %arg6[%mul3A_8, %dma_start3A_26] : memref<10240x64xf32, #tpu.memory_space<vmem_shared>> -> memref<640x64xf32, #tpu.memory_space<vmem_shared>>
      tpu.enqueue_dma source(%arg7 : memref<640x64xf32, #tpu.memory_space<vmem>>) target(%dma_start3A_27 : memref<640x64xf32, #tpu.memory_space<vmem_shared>>) target_semaphore(%run_scoped3A : memref<!tpu.dma_semaphore, #tpu.memory_space<semaphore_mem>>)
      %dma_wait3A = arith.constant 0 : i32
      %dma_wait3A_28 = tpu.memref_slice %arg6[%mul3A_8, %dma_wait3A] : memref<10240x64xf32, #tpu.memory_space<vmem_shared>> -> memref<640x64xf32, #tpu.memory_space<vmem_shared>>
      %dma_wait3A_29 = arith.constant 0 : i32
      %dma_wait3A_30 = tpu.memref_slice %arg6[%mul3A_8, %dma_wait3A_29] : memref<10240x64xf32, #tpu.memory_space<vmem_shared>> -> memref<640x64xf32, #tpu.memory_space<vmem_shared>>
      tpu.wait_dma2 semaphore(%run_scoped3A : memref<!tpu.dma_semaphore, #tpu.memory_space<semaphore_mem>>) src(%arg7 : memref<640x64xf32, #tpu.memory_space<vmem>>) dst(%dma_wait3A_30 : memref<640x64xf32, #tpu.memory_space<vmem_shared>>)
      tpu.yield
    }) : () -> ()
    %barrier3A = arith.constant 0 : index
    tpu.barrier barrier_id(%barrier3A)
    %mul3A_9 = arith.constant 10112 : i32
    %mul3A_10 = arith.muli %add3A, %mul3A_9 : i32
    %scan3A_11 = arith.constant 0 : i32
    %scan3A_12 = arith.constant 0 : i32
    %scan3A_13 = arith.constant 79 : i32
    %scan3A_14 = arith.addi %scan3A_12, %scan3A_13 : i32
    %scan3A_15 = arith.constant 1 : i32
    scf.for %scan3A_25 = %scan3A_12 to %scan3A_14 step %scan3A_15  : i32 {
      %mul3A_26 = arith.constant 128 : i32
      %mul3A_27 = arith.muli %scan3A_25, %mul3A_26 : i32
      %add3A_28 = arith.addi %mul3A_10, %mul3A_27 : i32
      "tpu.region"() ({
        %run_scoped3A_34 = tpu.sem_alloc : memref<!tpu.dma_semaphore, #tpu.memory_space<semaphore_mem>>
        %dma_start3A_35 = tpu.memref_slice %arg3[%add3A_28] : memref<323584xi32, #tpu.memory_space<hbm>> -> memref<128xi32, #tpu.memory_space<hbm>>
        %dma_start3A_36 = tpu.memref_slice %arg3[%add3A_28] : memref<323584xi32, #tpu.memory_space<hbm>> -> memref<128xi32, #tpu.memory_space<hbm>>
        tpu.enqueue_dma source(%dma_start3A_36 : memref<128xi32, #tpu.memory_space<hbm>>) target(%arg8 : memref<128xi32, #tpu.memory_space<vmem>>) target_semaphore(%run_scoped3A_34 : memref<!tpu.dma_semaphore, #tpu.memory_space<semaphore_mem>>)
        %dma_wait3A_37 = tpu.memref_slice %arg3[%add3A_28] : memref<323584xi32, #tpu.memory_space<hbm>> -> memref<128xi32, #tpu.memory_space<hbm>>
        %dma_wait3A_38 = tpu.memref_slice %arg3[%add3A_28] : memref<323584xi32, #tpu.memory_space<hbm>> -> memref<128xi32, #tpu.memory_space<hbm>>
        tpu.wait_dma2 semaphore(%run_scoped3A_34 : memref<!tpu.dma_semaphore, #tpu.memory_space<semaphore_mem>>) src(%dma_wait3A_38 : memref<128xi32, #tpu.memory_space<hbm>>) dst(%arg8 : memref<128xi32, #tpu.memory_space<vmem>>)
        tpu.yield
      }) : () -> ()
      %run_scoped3A = arith.constant 0 : i32
      "tpu.region"() ({
        %run_scoped3A_34 = tpu.sem_alloc : memref<!tpu.dma_semaphore, #tpu.memory_space<semaphore_mem>>
        %dma_start3A_35 = arith.constant 0 : i32
        %dma_start3A_36 = tpu.memref_slice %arg9[%run_scoped3A, %dma_start3A_35] : memref<1x128xi32, #tpu.memory_space<vmem>> -> memref<1x128xi32, #tpu.memory_space<vmem>>
        %dma_start3A_37 = tpu.memref_squeeze %dma_start3A_36 : memref<1x128xi32, #tpu.memory_space<vmem>> -> memref<128xi32, #tpu.memory_space<vmem>>
        %dma_start3A_38 = tpu.memref_slice %arg4[%add3A_28] : memref<323584xi32, #tpu.memory_space<hbm>> -> memref<128xi32, #tpu.memory_space<hbm>>
        %dma_start3A_39 = arith.constant 0 : i32
        %dma_start3A_40 = tpu.memref_slice %arg9[%run_scoped3A, %dma_start3A_39] : memref<1x128xi32, #tpu.memory_space<vmem>> -> memref<1x128xi32, #tpu.memory_space<vmem>>
        %dma_start3A_41 = tpu.memref_squeeze %dma_start3A_40 : memref<1x128xi32, #tpu.memory_space<vmem>> -> memref<128xi32, #tpu.memory_space<vmem>>
        %dma_start3A_42 = tpu.memref_slice %arg4[%add3A_28] : memref<323584xi32, #tpu.memory_space<hbm>> -> memref<128xi32, #tpu.memory_space<hbm>>
        tpu.enqueue_dma source(%dma_start3A_42 : memref<128xi32, #tpu.memory_space<hbm>>) target(%dma_start3A_41 : memref<128xi32, #tpu.memory_space<vmem>>) target_semaphore(%run_scoped3A_34 : memref<!tpu.dma_semaphore, #tpu.memory_space<semaphore_mem>>)
        %dma_wait3A_43 = arith.constant 0 : i32
        %dma_wait3A_44 = tpu.memref_slice %arg9[%run_scoped3A, %dma_wait3A_43] : memref<1x128xi32, #tpu.memory_space<vmem>> -> memref<1x128xi32, #tpu.memory_space<vmem>>
        %dma_wait3A_45 = tpu.memref_squeeze %dma_wait3A_44 : memref<1x128xi32, #tpu.memory_space<vmem>> -> memref<128xi32, #tpu.memory_space<vmem>>
        %dma_wait3A_46 = tpu.memref_slice %arg4[%add3A_28] : memref<323584xi32, #tpu.memory_space<hbm>> -> memref<128xi32, #tpu.memory_space<hbm>>
        %dma_wait3A_47 = arith.constant 0 : i32
        %dma_wait3A_48 = tpu.memref_slice %arg9[%run_scoped3A, %dma_wait3A_47] : memref<1x128xi32, #tpu.memory_space<vmem>> -> memref<1x128xi32, #tpu.memory_space<vmem>>
        %dma_wait3A_49 = tpu.memref_squeeze %dma_wait3A_48 : memref<1x128xi32, #tpu.memory_space<vmem>> -> memref<128xi32, #tpu.memory_space<vmem>>
        %dma_wait3A_50 = tpu.memref_slice %arg4[%add3A_28] : memref<323584xi32, #tpu.memory_space<hbm>> -> memref<128xi32, #tpu.memory_space<hbm>>
        tpu.wait_dma2 semaphore(%run_scoped3A_34 : memref<!tpu.dma_semaphore, #tpu.memory_space<semaphore_mem>>) src(%dma_wait3A_50 : memref<128xi32, #tpu.memory_space<hbm>>) dst(%dma_wait3A_49 : memref<128xi32, #tpu.memory_space<vmem>>)
        tpu.yield
      }) : () -> ()
      %dma_start3A = arith.constant 0 : i32
      %dma_start3A_29 = arith.constant 0 : i32
      %dma_start3A_30 = tpu.memref_slice %arg2[%dma_start3A, %dma_start3A_29] : memref<10240x64xf32, #tpu.memory_space<hbm>> -> memref<10240x64xf32, #tpu.memory_space<hbm>>
      tpu.enqueue_indirect_dma source(%dma_start3A_30 : memref<10240x64xf32, #tpu.memory_space<hbm>>) target(%arg10 : memref<128x64xf32, #tpu.memory_space<vmem>>) offsets(%arg8 : memref<128xi32, #tpu.memory_space<vmem>>) semaphore(%arg11 : memref<!tpu.dma_semaphore, #tpu.memory_space<semaphore_mem>>)
      %dma_wait3A = arith.constant 0 : i32
      %dma_wait3A_31 = arith.constant 0 : i32
      %dma_wait3A_32 = tpu.memref_slice %arg2[%dma_wait3A, %dma_wait3A_31] : memref<10240x64xf32, #tpu.memory_space<hbm>> -> memref<10240x64xf32, #tpu.memory_space<hbm>>
      tpu.wait_indirect_dma semaphore(%arg11 : memref<!tpu.dma_semaphore, #tpu.memory_space<semaphore_mem>>) src(%dma_wait3A_32 : memref<10240x64xf32, #tpu.memory_space<hbm>>) dst(%arg10 : memref<128x64xf32, #tpu.memory_space<vmem>>)
      %run_scoped3A_33 = arith.constant 0 : i32
      "tpu.region"() ({
        %run_scoped3A_34 = tpu.sem_alloc : memref<!tpu.dma_semaphore, #tpu.memory_space<semaphore_mem>>
        %dma_start3A_35 = arith.constant 0 : i32
        %dma_start3A_36 = tpu.memref_slice %arg9[%run_scoped3A_33, %dma_start3A_35] : memref<1x128xi32, #tpu.memory_space<vmem>> -> memref<1x128xi32, #tpu.memory_space<vmem>>
        %dma_start3A_37 = tpu.memref_squeeze %dma_start3A_36 : memref<1x128xi32, #tpu.memory_space<vmem>> -> memref<128xi32, #tpu.memory_space<vmem>>
        %dma_start3A_38 = arith.constant 0 : i32
        %dma_start3A_39 = arith.constant 0 : i32
        %dma_start3A_40 = tpu.memref_slice %arg6[%dma_start3A_38, %dma_start3A_39] : memref<10240x64xf32, #tpu.memory_space<vmem_shared>> -> memref<10240x64xf32, #tpu.memory_space<vmem_shared>>
        tpu.enqueue_indirect_dma source(%arg10 : memref<128x64xf32, #tpu.memory_space<vmem>>) target(%dma_start3A_40 : memref<10240x64xf32, #tpu.memory_space<vmem_shared>>) offsets(%dma_start3A_37 : memref<128xi32, #tpu.memory_space<vmem>>) semaphore(%run_scoped3A_34 : memref<!tpu.dma_semaphore, #tpu.memory_space<semaphore_mem>>) {add = true}
        %dma_wait3A_41 = arith.constant 0 : i32
        %dma_wait3A_42 = tpu.memref_slice %arg9[%run_scoped3A_33, %dma_wait3A_41] : memref<1x128xi32, #tpu.memory_space<vmem>> -> memref<1x128xi32, #tpu.memory_space<vmem>>
        %dma_wait3A_43 = tpu.memref_squeeze %dma_wait3A_42 : memref<1x128xi32, #tpu.memory_space<vmem>> -> memref<128xi32, #tpu.memory_space<vmem>>
        %dma_wait3A_44 = arith.constant 0 : i32
        %dma_wait3A_45 = arith.constant 0 : i32
        %dma_wait3A_46 = tpu.memref_slice %arg6[%dma_wait3A_44, %dma_wait3A_45] : memref<10240x64xf32, #tpu.memory_space<vmem_shared>> -> memref<10240x64xf32, #tpu.memory_space<vmem_shared>>
        tpu.wait_indirect_dma semaphore(%run_scoped3A_34 : memref<!tpu.dma_semaphore, #tpu.memory_space<semaphore_mem>>) src(%arg10 : memref<128x64xf32, #tpu.memory_space<vmem>>) dst(%dma_wait3A_46 : memref<10240x64xf32, #tpu.memory_space<vmem_shared>>)
        tpu.yield
      }) : () -> ()
    }
    %scan3A_16 = arith.constant 79 : i32
    %barrier3A_17 = arith.constant 0 : index
    tpu.barrier barrier_id(%barrier3A_17)
    %mul3A_18 = arith.constant 640 : i32
    %mul3A_19 = arith.muli %arg1, %mul3A_18 : i32
    %mul3A_20 = arith.constant 10240 : i32
    %mul3A_21 = arith.muli %arg0, %mul3A_20 : i32
    %mul3A_22 = arith.constant 640 : i32
    %mul3A_23 = arith.muli %arg1, %mul3A_22 : i32
    %add3A_24 = arith.addi %mul3A_21, %mul3A_23 : i32
    "tpu.region"() ({
      %run_scoped3A = tpu.sem_alloc : memref<!tpu.dma_semaphore, #tpu.memory_space<semaphore_mem>>
      %dma_start3A = arith.constant 0 : i32
      %dma_start3A_25 = tpu.memref_slice %arg5[%add3A_24, %dma_start3A] : memref<20480x64xf32, #tpu.memory_space<hbm>> -> memref<640x64xf32, #tpu.memory_space<hbm>>
      %dma_start3A_26 = arith.constant 0 : i32
      %dma_start3A_27 = tpu.memref_slice %arg6[%mul3A_19, %dma_start3A_26] : memref<10240x64xf32, #tpu.memory_space<vmem_shared>> -> memref<640x64xf32, #tpu.memory_space<vmem_shared>>
      tpu.enqueue_dma source(%dma_start3A_27 : memref<640x64xf32, #tpu.memory_space<vmem_shared>>) target(%dma_start3A_25 : memref<640x64xf32, #tpu.memory_space<hbm>>) target_semaphore(%run_scoped3A : memref<!tpu.dma_semaphore, #tpu.memory_space<semaphore_mem>>)
      %dma_wait3A = arith.constant 0 : i32
      %dma_wait3A_28 = tpu.memref_slice %arg5[%add3A_24, %dma_wait3A] : memref<20480x64xf32, #tpu.memory_space<hbm>> -> memref<640x64xf32, #tpu.memory_space<hbm>>
      %dma_wait3A_29 = arith.constant 0 : i32
      %dma_wait3A_30 = tpu.memref_slice %arg6[%mul3A_19, %dma_wait3A_29] : memref<10240x64xf32, #tpu.memory_space<vmem_shared>> -> memref<640x64xf32, #tpu.memory_space<vmem_shared>>
      tpu.wait_dma2 semaphore(%run_scoped3A : memref<!tpu.dma_semaphore, #tpu.memory_space<semaphore_mem>>) src(%dma_wait3A_30 : memref<640x64xf32, #tpu.memory_space<vmem_shared>>) dst(%dma_wait3A_28 : memref<640x64xf32, #tpu.memory_space<hbm>>)
      tpu.yield
    }) : () -> ()
    return
  }
}

#map = affine_map<(d0, d1) -> (0, 0)>
#map1 = affine_map<(d0, d1) -> (0)>
module attributes {stable_mosaic.version = 14 : i64} {
  func.func @agg_kernel(%arg0: i32, %arg1: i32, %arg2: memref<10240x16xf32, #tpu.memory_space<hbm>>, %arg3: memref<323584xi32, #tpu.memory_space<hbm>>, %arg4: memref<323584xi32, #tpu.memory_space<hbm>>, %arg5: memref<20480x16xf32, #tpu.memory_space<hbm>>, %arg6: memref<10240x16xf32, #tpu.memory_space<vmem_shared>>, %arg7: memref<640x16xf32, #tpu.memory_space<vmem>>, %arg8: memref<128xi32, #tpu.memory_space<vmem>>, %arg9: memref<1x128xi32, #tpu.memory_space<vmem>>, %arg10: memref<128x16xf32, #tpu.memory_space<vmem>>, %arg11: memref<!tpu.dma_semaphore, #tpu.memory_space<semaphore_mem>>) attributes {dimension_semantics = [#tpu.dimension_semantics<core_parallel>, #tpu.dimension_semantics<subcore_parallel>], iteration_bounds = array<i64: 2, 16>, scalar_prefetch = 0 : i64, scratch_operands = 6 : i64, tpu.core_type = #tpu.core_type<sc_vector_subcore>, window_params = [{transform_indices = #map}, {transform_indices = #map1}, {transform_indices = #map1}, {transform_indices = #map}]} {
    %mul3A = arith.constant 16 : i32
    %mul3A_0 = arith.muli %arg0, %mul3A : i32
    %add3A = arith.addi %mul3A_0, %arg1 : i32
    %broadcast_in_dim3A = arith.constant 0.000000e+00 : f32
    %broadcast_in_dim3A_1 = vector.broadcast %broadcast_in_dim3A : f32 to vector<16xf32>
    %scan3A = arith.constant 0 : i32
    %scan3A_2 = arith.constant 0 : i32
    %scan3A_3 = arith.constant 640 : i32
    %scan3A_4 = arith.addi %scan3A_2, %scan3A_3 : i32
    %scan3A_5 = arith.constant 1 : i32
    scf.for %scan3A_25 = %scan3A_2 to %scan3A_4 step %scan3A_5  : i32 {
      %swap3A = arith.index_cast %scan3A_25 : i32 to index
      %swap3A_26 = arith.constant 0 : index
      %swap3A_27 = tpu.vector_load %arg7[%swap3A, %swap3A_26] {strides = array<i32>} : memref<640x16xf32, #tpu.memory_space<vmem>>, vector<1x16xf32>,
      %swap3A_28 = vector.shape_cast %swap3A_27 : vector<1x16xf32> to vector<16xf32>
      %swap3A_29 = vector.shape_cast %broadcast_in_dim3A_1 : vector<16xf32> to vector<1x16xf32>
      tpu.vector_store %arg7[%swap3A, %swap3A_26], %swap3A_29 {strides = array<i32>} : memref<640x16xf32, #tpu.memory_space<vmem>>, vector<1x16xf32>,
    }
    %scan3A_6 = arith.constant 640 : i32
    %mul3A_7 = arith.constant 640 : i32
    %mul3A_8 = arith.muli %arg1, %mul3A_7 : i32
    "tpu.region"() ({
      %run_scoped3A = tpu.sem_alloc : memref<!tpu.dma_semaphore, #tpu.memory_space<semaphore_mem>>
      %dma_start3A = arith.constant 0 : i32
      %dma_start3A_25 = tpu.memref_slice %arg6[%mul3A_8, %dma_start3A] : memref<10240x16xf32, #tpu.memory_space<vmem_shared>> -> memref<640x16xf32, #tpu.memory_space<vmem_shared>>
      %dma_start3A_26 = arith.constant 0 : i32
      %dma_start3A_27 = tpu.memref_slice %arg6[%mul3A_8, %dma_start3A_26] : memref<10240x16xf32, #tpu.memory_space<vmem_shared>> -> memref<640x16xf32, #tpu.memory_space<vmem_shared>>
      tpu.enqueue_dma source(%arg7 : memref<640x16xf32, #tpu.memory_space<vmem>>) target(%dma_start3A_27 : memref<640x16xf32, #tpu.memory_space<vmem_shared>>) target_semaphore(%run_scoped3A : memref<!tpu.dma_semaphore, #tpu.memory_space<semaphore_mem>>)
      %dma_wait3A = arith.constant 0 : i32
      %dma_wait3A_28 = tpu.memref_slice %arg6[%mul3A_8, %dma_wait3A] : memref<10240x16xf32, #tpu.memory_space<vmem_shared>> -> memref<640x16xf32, #tpu.memory_space<vmem_shared>>
      %dma_wait3A_29 = arith.constant 0 : i32
      %dma_wait3A_30 = tpu.memref_slice %arg6[%mul3A_8, %dma_wait3A_29] : memref<10240x16xf32, #tpu.memory_space<vmem_shared>> -> memref<640x16xf32, #tpu.memory_space<vmem_shared>>
      tpu.wait_dma2 semaphore(%run_scoped3A : memref<!tpu.dma_semaphore, #tpu.memory_space<semaphore_mem>>) src(%arg7 : memref<640x16xf32, #tpu.memory_space<vmem>>) dst(%dma_wait3A_30 : memref<640x16xf32, #tpu.memory_space<vmem_shared>>)
      tpu.yield
    }) : () -> ()
    %barrier3A = arith.constant 0 : index
    tpu.barrier barrier_id(%barrier3A)
    %mul3A_9 = arith.constant 10112 : i32
    %mul3A_10 = arith.muli %add3A, %mul3A_9 : i32
    %scan3A_11 = arith.constant 0 : i32
    %scan3A_12 = arith.constant 0 : i32
    %scan3A_13 = arith.constant 79 : i32
    %scan3A_14 = arith.addi %scan3A_12, %scan3A_13 : i32
    %scan3A_15 = arith.constant 1 : i32
    scf.for %scan3A_25 = %scan3A_12 to %scan3A_14 step %scan3A_15  : i32 {
      %mul3A_26 = arith.constant 128 : i32
      %mul3A_27 = arith.muli %scan3A_25, %mul3A_26 : i32
      %add3A_28 = arith.addi %mul3A_10, %mul3A_27 : i32
      "tpu.region"() ({
        %run_scoped3A_34 = tpu.sem_alloc : memref<!tpu.dma_semaphore, #tpu.memory_space<semaphore_mem>>
        %dma_start3A_35 = tpu.memref_slice %arg3[%add3A_28] : memref<323584xi32, #tpu.memory_space<hbm>> -> memref<128xi32, #tpu.memory_space<hbm>>
        %dma_start3A_36 = tpu.memref_slice %arg3[%add3A_28] : memref<323584xi32, #tpu.memory_space<hbm>> -> memref<128xi32, #tpu.memory_space<hbm>>
        tpu.enqueue_dma source(%dma_start3A_36 : memref<128xi32, #tpu.memory_space<hbm>>) target(%arg8 : memref<128xi32, #tpu.memory_space<vmem>>) target_semaphore(%run_scoped3A_34 : memref<!tpu.dma_semaphore, #tpu.memory_space<semaphore_mem>>)
        %dma_wait3A_37 = tpu.memref_slice %arg3[%add3A_28] : memref<323584xi32, #tpu.memory_space<hbm>> -> memref<128xi32, #tpu.memory_space<hbm>>
        %dma_wait3A_38 = tpu.memref_slice %arg3[%add3A_28] : memref<323584xi32, #tpu.memory_space<hbm>> -> memref<128xi32, #tpu.memory_space<hbm>>
        tpu.wait_dma2 semaphore(%run_scoped3A_34 : memref<!tpu.dma_semaphore, #tpu.memory_space<semaphore_mem>>) src(%dma_wait3A_38 : memref<128xi32, #tpu.memory_space<hbm>>) dst(%arg8 : memref<128xi32, #tpu.memory_space<vmem>>)
        tpu.yield
      }) : () -> ()
      %run_scoped3A = arith.constant 0 : i32
      "tpu.region"() ({
        %run_scoped3A_34 = tpu.sem_alloc : memref<!tpu.dma_semaphore, #tpu.memory_space<semaphore_mem>>
        %dma_start3A_35 = arith.constant 0 : i32
        %dma_start3A_36 = tpu.memref_slice %arg9[%run_scoped3A, %dma_start3A_35] : memref<1x128xi32, #tpu.memory_space<vmem>> -> memref<1x128xi32, #tpu.memory_space<vmem>>
        %dma_start3A_37 = tpu.memref_squeeze %dma_start3A_36 : memref<1x128xi32, #tpu.memory_space<vmem>> -> memref<128xi32, #tpu.memory_space<vmem>>
        %dma_start3A_38 = tpu.memref_slice %arg4[%add3A_28] : memref<323584xi32, #tpu.memory_space<hbm>> -> memref<128xi32, #tpu.memory_space<hbm>>
        %dma_start3A_39 = arith.constant 0 : i32
        %dma_start3A_40 = tpu.memref_slice %arg9[%run_scoped3A, %dma_start3A_39] : memref<1x128xi32, #tpu.memory_space<vmem>> -> memref<1x128xi32, #tpu.memory_space<vmem>>
        %dma_start3A_41 = tpu.memref_squeeze %dma_start3A_40 : memref<1x128xi32, #tpu.memory_space<vmem>> -> memref<128xi32, #tpu.memory_space<vmem>>
        %dma_start3A_42 = tpu.memref_slice %arg4[%add3A_28] : memref<323584xi32, #tpu.memory_space<hbm>> -> memref<128xi32, #tpu.memory_space<hbm>>
        tpu.enqueue_dma source(%dma_start3A_42 : memref<128xi32, #tpu.memory_space<hbm>>) target(%dma_start3A_41 : memref<128xi32, #tpu.memory_space<vmem>>) target_semaphore(%run_scoped3A_34 : memref<!tpu.dma_semaphore, #tpu.memory_space<semaphore_mem>>)
        %dma_wait3A_43 = arith.constant 0 : i32
        %dma_wait3A_44 = tpu.memref_slice %arg9[%run_scoped3A, %dma_wait3A_43] : memref<1x128xi32, #tpu.memory_space<vmem>> -> memref<1x128xi32, #tpu.memory_space<vmem>>
        %dma_wait3A_45 = tpu.memref_squeeze %dma_wait3A_44 : memref<1x128xi32, #tpu.memory_space<vmem>> -> memref<128xi32, #tpu.memory_space<vmem>>
        %dma_wait3A_46 = tpu.memref_slice %arg4[%add3A_28] : memref<323584xi32, #tpu.memory_space<hbm>> -> memref<128xi32, #tpu.memory_space<hbm>>
        %dma_wait3A_47 = arith.constant 0 : i32
        %dma_wait3A_48 = tpu.memref_slice %arg9[%run_scoped3A, %dma_wait3A_47] : memref<1x128xi32, #tpu.memory_space<vmem>> -> memref<1x128xi32, #tpu.memory_space<vmem>>
        %dma_wait3A_49 = tpu.memref_squeeze %dma_wait3A_48 : memref<1x128xi32, #tpu.memory_space<vmem>> -> memref<128xi32, #tpu.memory_space<vmem>>
        %dma_wait3A_50 = tpu.memref_slice %arg4[%add3A_28] : memref<323584xi32, #tpu.memory_space<hbm>> -> memref<128xi32, #tpu.memory_space<hbm>>
        tpu.wait_dma2 semaphore(%run_scoped3A_34 : memref<!tpu.dma_semaphore, #tpu.memory_space<semaphore_mem>>) src(%dma_wait3A_50 : memref<128xi32, #tpu.memory_space<hbm>>) dst(%dma_wait3A_49 : memref<128xi32, #tpu.memory_space<vmem>>)
        tpu.yield
      }) : () -> ()
      %dma_start3A = arith.constant 0 : i32
      %dma_start3A_29 = arith.constant 0 : i32
      %dma_start3A_30 = tpu.memref_slice %arg2[%dma_start3A, %dma_start3A_29] : memref<10240x16xf32, #tpu.memory_space<hbm>> -> memref<10240x16xf32, #tpu.memory_space<hbm>>
      tpu.enqueue_indirect_dma source(%dma_start3A_30 : memref<10240x16xf32, #tpu.memory_space<hbm>>) target(%arg10 : memref<128x16xf32, #tpu.memory_space<vmem>>) offsets(%arg8 : memref<128xi32, #tpu.memory_space<vmem>>) semaphore(%arg11 : memref<!tpu.dma_semaphore, #tpu.memory_space<semaphore_mem>>)
      %dma_wait3A = arith.constant 0 : i32
      %dma_wait3A_31 = arith.constant 0 : i32
      %dma_wait3A_32 = tpu.memref_slice %arg2[%dma_wait3A, %dma_wait3A_31] : memref<10240x16xf32, #tpu.memory_space<hbm>> -> memref<10240x16xf32, #tpu.memory_space<hbm>>
      tpu.wait_indirect_dma semaphore(%arg11 : memref<!tpu.dma_semaphore, #tpu.memory_space<semaphore_mem>>) src(%dma_wait3A_32 : memref<10240x16xf32, #tpu.memory_space<hbm>>) dst(%arg10 : memref<128x16xf32, #tpu.memory_space<vmem>>)
      %run_scoped3A_33 = arith.constant 0 : i32
      "tpu.region"() ({
        %run_scoped3A_34 = tpu.sem_alloc : memref<!tpu.dma_semaphore, #tpu.memory_space<semaphore_mem>>
        %dma_start3A_35 = arith.constant 0 : i32
        %dma_start3A_36 = tpu.memref_slice %arg9[%run_scoped3A_33, %dma_start3A_35] : memref<1x128xi32, #tpu.memory_space<vmem>> -> memref<1x128xi32, #tpu.memory_space<vmem>>
        %dma_start3A_37 = tpu.memref_squeeze %dma_start3A_36 : memref<1x128xi32, #tpu.memory_space<vmem>> -> memref<128xi32, #tpu.memory_space<vmem>>
        %dma_start3A_38 = arith.constant 0 : i32
        %dma_start3A_39 = arith.constant 0 : i32
        %dma_start3A_40 = tpu.memref_slice %arg6[%dma_start3A_38, %dma_start3A_39] : memref<10240x16xf32, #tpu.memory_space<vmem_shared>> -> memref<10240x16xf32, #tpu.memory_space<vmem_shared>>
        tpu.enqueue_indirect_dma source(%arg10 : memref<128x16xf32, #tpu.memory_space<vmem>>) target(%dma_start3A_40 : memref<10240x16xf32, #tpu.memory_space<vmem_shared>>) offsets(%dma_start3A_37 : memref<128xi32, #tpu.memory_space<vmem>>) semaphore(%run_scoped3A_34 : memref<!tpu.dma_semaphore, #tpu.memory_space<semaphore_mem>>) {add = true}
        %dma_wait3A_41 = arith.constant 0 : i32
        %dma_wait3A_42 = tpu.memref_slice %arg9[%run_scoped3A_33, %dma_wait3A_41] : memref<1x128xi32, #tpu.memory_space<vmem>> -> memref<1x128xi32, #tpu.memory_space<vmem>>
        %dma_wait3A_43 = tpu.memref_squeeze %dma_wait3A_42 : memref<1x128xi32, #tpu.memory_space<vmem>> -> memref<128xi32, #tpu.memory_space<vmem>>
        %dma_wait3A_44 = arith.constant 0 : i32
        %dma_wait3A_45 = arith.constant 0 : i32
        %dma_wait3A_46 = tpu.memref_slice %arg6[%dma_wait3A_44, %dma_wait3A_45] : memref<10240x16xf32, #tpu.memory_space<vmem_shared>> -> memref<10240x16xf32, #tpu.memory_space<vmem_shared>>
        tpu.wait_indirect_dma semaphore(%run_scoped3A_34 : memref<!tpu.dma_semaphore, #tpu.memory_space<semaphore_mem>>) src(%arg10 : memref<128x16xf32, #tpu.memory_space<vmem>>) dst(%dma_wait3A_46 : memref<10240x16xf32, #tpu.memory_space<vmem_shared>>)
        tpu.yield
      }) : () -> ()
    }
    %scan3A_16 = arith.constant 79 : i32
    %barrier3A_17 = arith.constant 0 : index
    tpu.barrier barrier_id(%barrier3A_17)
    %mul3A_18 = arith.constant 640 : i32
    %mul3A_19 = arith.muli %arg1, %mul3A_18 : i32
    %mul3A_20 = arith.constant 10240 : i32
    %mul3A_21 = arith.muli %arg0, %mul3A_20 : i32
    %mul3A_22 = arith.constant 640 : i32
    %mul3A_23 = arith.muli %arg1, %mul3A_22 : i32
    %add3A_24 = arith.addi %mul3A_21, %mul3A_23 : i32
    "tpu.region"() ({
      %run_scoped3A = tpu.sem_alloc : memref<!tpu.dma_semaphore, #tpu.memory_space<semaphore_mem>>
      %dma_start3A = arith.constant 0 : i32
      %dma_start3A_25 = tpu.memref_slice %arg5[%add3A_24, %dma_start3A] : memref<20480x16xf32, #tpu.memory_space<hbm>> -> memref<640x16xf32, #tpu.memory_space<hbm>>
      %dma_start3A_26 = arith.constant 0 : i32
      %dma_start3A_27 = tpu.memref_slice %arg6[%mul3A_19, %dma_start3A_26] : memref<10240x16xf32, #tpu.memory_space<vmem_shared>> -> memref<640x16xf32, #tpu.memory_space<vmem_shared>>
      tpu.enqueue_dma source(%dma_start3A_27 : memref<640x16xf32, #tpu.memory_space<vmem_shared>>) target(%dma_start3A_25 : memref<640x16xf32, #tpu.memory_space<hbm>>) target_semaphore(%run_scoped3A : memref<!tpu.dma_semaphore, #tpu.memory_space<semaphore_mem>>)
      %dma_wait3A = arith.constant 0 : i32
      %dma_wait3A_28 = tpu.memref_slice %arg5[%add3A_24, %dma_wait3A] : memref<20480x16xf32, #tpu.memory_space<hbm>> -> memref<640x16xf32, #tpu.memory_space<hbm>>
      %dma_wait3A_29 = arith.constant 0 : i32
      %dma_wait3A_30 = tpu.memref_slice %arg6[%mul3A_19, %dma_wait3A_29] : memref<10240x16xf32, #tpu.memory_space<vmem_shared>> -> memref<640x16xf32, #tpu.memory_space<vmem_shared>>
      tpu.wait_dma2 semaphore(%run_scoped3A : memref<!tpu.dma_semaphore, #tpu.memory_space<semaphore_mem>>) src(%dma_wait3A_30 : memref<640x16xf32, #tpu.memory_space<vmem_shared>>) dst(%dma_wait3A_28 : memref<640x16xf32, #tpu.memory_space<hbm>>)
      tpu.yield
    }) : () -> ()
    return
  }
}

module attributes {stable_mosaic.version = 14 : i64} {
  func.func @_tc1_body(%arg0: i32, %arg1: memref<1024x128xf32, #tpu.memory_space<vmem>>, %arg2: memref<128x64xf32, #tpu.memory_space<vmem>>, %arg3: memref<32x1024xf32, #tpu.memory_space<vmem>>, %arg4: memref<1024x64xf32, #tpu.memory_space<vmem>>) attributes {dimension_semantics = [#tpu.dimension_semantics<arbitrary>], iteration_bounds = array<i64: 10>, scalar_prefetch = 0 : i64, scratch_operands = 0 : i64, tpu.core_type = #tpu.core_type<tc>, window_params = [{transform_indices = @transform_0, window_bounds = array<i64: 1024, 128>}, {pipeline_mode = #tpu.pipeline_mode<synchronous>, transform_indices = @transform_1, window_bounds = array<i64: 128, 64>}, {transform_indices = @transform_2, window_bounds = array<i64: 32, 1024>}, {transform_indices = @transform_3, window_bounds = array<i64: 1024, 64>}]} {
    %get3A = arith.constant 0 : index
    %get3A_0 = arith.constant 0 : index
    %get3A_1 = vector.load %arg3[%get3A, %get3A_0] : memref<32x1024xf32, #tpu.memory_space<vmem>>, vector<32x1024xf32>
    %reduce_sum3A = arith.constant dense<0.000000e+00> : vector<1024xf32>
    %reduce_sum3A_2 = vector.multi_reduction <add>, %get3A_1, %reduce_sum3A [0] : vector<32x1024xf32> to vector<1024xf32>
    %add3A = arith.constant 1.000000e+00 : f32
    %add3A_3 = vector.broadcast %add3A : f32 to vector<1024xf32>
    %add3A_4 = arith.addf %reduce_sum3A_2, %add3A_3 : vector<1024xf32>
    %rsqrt3A = math.rsqrt %add3A_4 : vector<1024xf32>
    %get3A_5 = arith.constant 0 : index
    %get3A_6 = arith.constant 0 : index
    %get3A_7 = vector.load %arg1[%get3A_5, %get3A_6] : memref<1024x128xf32, #tpu.memory_space<vmem>>, vector<1024x128xf32>
    %get3A_8 = arith.constant 0 : index
    %get3A_9 = arith.constant 0 : index
    %get3A_10 = vector.load %arg2[%get3A_8, %get3A_9] : memref<128x64xf32, #tpu.memory_space<vmem>>, vector<128x64xf32>
    %dot_general3A = arith.constant dense<0.000000e+00> : vector<1024x64xf32>
    %dot_general3A_11 = tpu.matmul %get3A_7, %get3A_10, %dot_general3A {dimension_numbers = #tpu.dot_dimension_numbers<[1], [0], [0], [1], [0, 0, 1, 1], [], []>, transpose_lhs_hint = false} : vector<1024x128xf32>, vector<128x64xf32>, vector<1024x64xf32> -> vector<1024x64xf32>
    %broadcast_in_dim3A = vector.shape_cast %rsqrt3A : vector<1024xf32> to vector<1024x1xf32>
    %mul3A = vector.broadcast %broadcast_in_dim3A : vector<1024x1xf32> to vector<1024x64xf32>
    %mul3A_12 = arith.mulf %dot_general3A_11, %mul3A : vector<1024x64xf32>
    %swap3A = arith.constant 0 : index
    %swap3A_13 = arith.constant 0 : index
    %swap3A_14 = vector.load %arg4[%swap3A, %swap3A_13] : memref<1024x64xf32, #tpu.memory_space<vmem>>, vector<1024x64xf32>
    tpu.vector_store %arg4[%swap3A, %swap3A_13], %mul3A_12 {strides = array<i32>} : memref<1024x64xf32, #tpu.memory_space<vmem>>, vector<1024x64xf32>,
    return
  }
  func.func @transform_0(%arg0: i32) -> (i32, i32) {
    %c0_i32 = arith.constant 0 : i32
    %c0_i32_0 = arith.constant 0 : i32
    return %arg0, %c0_i32 : i32, i32
  }
  func.func @transform_1(%arg0: i32) -> (i32, i32) {
    %c0_i32 = arith.constant 0 : i32
    %c0_i32_0 = arith.constant 0 : i32
    %c0_i32_1 = arith.constant 0 : i32
    return %c0_i32, %c0_i32_0 : i32, i32
  }
  func.func @transform_2(%arg0: i32) -> (i32, i32) {
    %c0_i32 = arith.constant 0 : i32
    %c0_i32_0 = arith.constant 0 : i32
    return %c0_i32, %arg0 : i32, i32
  }
  func.func @transform_3(%arg0: i32) -> (i32, i32) {
    %c0_i32 = arith.constant 0 : i32
    %c0_i32_0 = arith.constant 0 : i32
    return %arg0, %c0_i32 : i32, i32
  }
}

module attributes {stable_mosaic.version = 14 : i64} {
  func.func @_tc2_body(%arg0: i32, %arg1: memref<2x1024x64xf32, #tpu.memory_space<vmem>>, %arg2: memref<1024x64xf32, #tpu.memory_space<vmem>>, %arg3: memref<32x1024xf32, #tpu.memory_space<vmem>>, %arg4: memref<64x16xf32, #tpu.memory_space<vmem>>, %arg5: memref<1x64xf32, #tpu.memory_space<vmem>>, %arg6: memref<1024x16xf32, #tpu.memory_space<vmem>>) attributes {dimension_semantics = [#tpu.dimension_semantics<arbitrary>], iteration_bounds = array<i64: 10>, scalar_prefetch = 0 : i64, scratch_operands = 0 : i64, tpu.core_type = #tpu.core_type<tc>, window_params = [{transform_indices = @transform_0, window_bounds = array<i64: 2, 1024, 64>}, {transform_indices = @transform_1, window_bounds = array<i64: 1024, 64>}, {transform_indices = @transform_2, window_bounds = array<i64: 32, 1024>}, {pipeline_mode = #tpu.pipeline_mode<synchronous>, transform_indices = @transform_3, window_bounds = array<i64: 64, 16>}, {pipeline_mode = #tpu.pipeline_mode<synchronous>, transform_indices = @transform_4, window_bounds = array<i64: 1, 64>}, {transform_indices = @transform_5, window_bounds = array<i64: 1024, 16>}]} {
    %get3A = arith.constant 0 : index
    %get3A_0 = arith.constant 0 : index
    %get3A_1 = vector.load %arg3[%get3A, %get3A_0] : memref<32x1024xf32, #tpu.memory_space<vmem>>, vector<32x1024xf32>
    %reduce_sum3A = arith.constant dense<0.000000e+00> : vector<1024xf32>
    %reduce_sum3A_2 = vector.multi_reduction <add>, %get3A_1, %reduce_sum3A [0] : vector<32x1024xf32> to vector<1024xf32>
    %add3A = arith.constant 1.000000e+00 : f32
    %add3A_3 = vector.broadcast %add3A : f32 to vector<1024xf32>
    %add3A_4 = arith.addf %reduce_sum3A_2, %add3A_3 : vector<1024xf32>
    %rsqrt3A = math.rsqrt %add3A_4 : vector<1024xf32>
    %get3A_5 = arith.constant 0 : index
    %get3A_6 = arith.constant 0 : index
    %get3A_7 = arith.constant 0 : index
    %get3A_8 = vector.load %arg1[%get3A_5, %get3A_6, %get3A_7] : memref<2x1024x64xf32, #tpu.memory_space<vmem>>, vector<1x1024x64xf32>
    %get3A_9 = vector.shape_cast %get3A_8 : vector<1x1024x64xf32> to vector<1024x64xf32>
    %get3A_10 = arith.constant 1 : index
    %get3A_11 = arith.constant 0 : index
    %get3A_12 = arith.constant 0 : index
    %get3A_13 = vector.load %arg1[%get3A_10, %get3A_11, %get3A_12] : memref<2x1024x64xf32, #tpu.memory_space<vmem>>, vector<1x1024x64xf32>
    %get3A_14 = vector.shape_cast %get3A_13 : vector<1x1024x64xf32> to vector<1024x64xf32>
    %add3A_15 = arith.addf %get3A_9, %get3A_14 : vector<1024x64xf32>
    %get3A_16 = arith.constant 0 : index
    %get3A_17 = arith.constant 0 : index
    %get3A_18 = vector.load %arg2[%get3A_16, %get3A_17] : memref<1024x64xf32, #tpu.memory_space<vmem>>, vector<1024x64xf32>
    %add3A_19 = arith.addf %add3A_15, %get3A_18 : vector<1024x64xf32>
    %broadcast_in_dim3A = vector.shape_cast %rsqrt3A : vector<1024xf32> to vector<1024x1xf32>
    %mul3A = vector.broadcast %broadcast_in_dim3A : vector<1024x1xf32> to vector<1024x64xf32>
    %mul3A_20 = arith.mulf %add3A_19, %mul3A : vector<1024x64xf32>
    %get3A_21 = arith.constant 0 : index
    %get3A_22 = arith.constant 0 : index
    %get3A_23 = vector.load %arg5[%get3A_21, %get3A_22] : memref<1x64xf32, #tpu.memory_space<vmem>>, vector<1x64xf32>
    %add3A_24 = vector.broadcast %get3A_23 : vector<1x64xf32> to vector<1024x64xf32>
    %add3A_25 = arith.addf %mul3A_20, %add3A_24 : vector<1024x64xf32>
    %max3A = arith.constant 0.000000e+00 : f32
    %max3A_26 = vector.broadcast %max3A : f32 to vector<1024x64xf32>
    %max3A_27 = arith.maximumf %add3A_25, %max3A_26 : vector<1024x64xf32>
    %get3A_28 = arith.constant 0 : index
    %get3A_29 = arith.constant 0 : index
    %get3A_30 = vector.load %arg4[%get3A_28, %get3A_29] : memref<64x16xf32, #tpu.memory_space<vmem>>, vector<64x16xf32>
    %dot_general3A = arith.constant dense<0.000000e+00> : vector<1024x16xf32>
    %dot_general3A_31 = tpu.matmul %max3A_27, %get3A_30, %dot_general3A {dimension_numbers = #tpu.dot_dimension_numbers<[1], [0], [0], [1], [0, 0, 1, 1], [], []>, transpose_lhs_hint = false} : vector<1024x64xf32>, vector<64x16xf32>, vector<1024x16xf32> -> vector<1024x16xf32>
    %broadcast_in_dim3A_32 = vector.shape_cast %rsqrt3A : vector<1024xf32> to vector<1024x1xf32>
    %mul3A_33 = vector.broadcast %broadcast_in_dim3A_32 : vector<1024x1xf32> to vector<1024x16xf32>
    %mul3A_34 = arith.mulf %dot_general3A_31, %mul3A_33 : vector<1024x16xf32>
    %swap3A = arith.constant 0 : index
    %swap3A_35 = arith.constant 0 : index
    %swap3A_36 = vector.load %arg6[%swap3A, %swap3A_35] : memref<1024x16xf32, #tpu.memory_space<vmem>>, vector<1024x16xf32>
    tpu.vector_store %arg6[%swap3A, %swap3A_35], %mul3A_34 {strides = array<i32>} : memref<1024x16xf32, #tpu.memory_space<vmem>>, vector<1024x16xf32>,
    return
  }
  func.func @transform_0(%arg0: i32) -> (i32, i32, i32) {
    %c0_i32 = arith.constant 0 : i32
    %c0_i32_0 = arith.constant 0 : i32
    %c0_i32_1 = arith.constant 0 : i32
    return %c0_i32, %arg0, %c0_i32_0 : i32, i32, i32
  }
  func.func @transform_1(%arg0: i32) -> (i32, i32) {
    %c0_i32 = arith.constant 0 : i32
    %c0_i32_0 = arith.constant 0 : i32
    return %arg0, %c0_i32 : i32, i32
  }
  func.func @transform_2(%arg0: i32) -> (i32, i32) {
    %c0_i32 = arith.constant 0 : i32
    %c0_i32_0 = arith.constant 0 : i32
    return %c0_i32, %arg0 : i32, i32
  }
  func.func @transform_3(%arg0: i32) -> (i32, i32) {
    %c0_i32 = arith.constant 0 : i32
    %c0_i32_0 = arith.constant 0 : i32
    %c0_i32_1 = arith.constant 0 : i32
    return %c0_i32, %c0_i32_0 : i32, i32
  }
  func.func @transform_4(%arg0: i32) -> (i32, i32) {
    %c0_i32 = arith.constant 0 : i32
    %c0_i32_0 = arith.constant 0 : i32
    %c0_i32_1 = arith.constant 0 : i32
    return %c0_i32, %c0_i32_0 : i32, i32
  }
  func.func @transform_5(%arg0: i32) -> (i32, i32) {
    %c0_i32 = arith.constant 0 : i32
    %c0_i32_0 = arith.constant 0 : i32
    return %arg0, %c0_i32 : i32, i32
  }
}

module attributes {stable_mosaic.version = 14 : i64} {
  func.func @_tc3_body(%arg0: i32, %arg1: memref<2x1024x16xf32, #tpu.memory_space<vmem>>, %arg2: memref<1024x16xf32, #tpu.memory_space<vmem>>, %arg3: memref<32x1024xf32, #tpu.memory_space<vmem>>, %arg4: memref<1x16xf32, #tpu.memory_space<vmem>>, %arg5: memref<1024x16xf32, #tpu.memory_space<vmem>>) attributes {dimension_semantics = [#tpu.dimension_semantics<arbitrary>], iteration_bounds = array<i64: 10>, scalar_prefetch = 0 : i64, scratch_operands = 0 : i64, tpu.core_type = #tpu.core_type<tc>, window_params = [{transform_indices = @transform_0, window_bounds = array<i64: 2, 1024, 16>}, {transform_indices = @transform_1, window_bounds = array<i64: 1024, 16>}, {transform_indices = @transform_2, window_bounds = array<i64: 32, 1024>}, {pipeline_mode = #tpu.pipeline_mode<synchronous>, transform_indices = @transform_3, window_bounds = array<i64: 1, 16>}, {transform_indices = @transform_4, window_bounds = array<i64: 1024, 16>}]} {
    %get3A = arith.constant 0 : index
    %get3A_0 = arith.constant 0 : index
    %get3A_1 = vector.load %arg3[%get3A, %get3A_0] : memref<32x1024xf32, #tpu.memory_space<vmem>>, vector<32x1024xf32>
    %reduce_sum3A = arith.constant dense<0.000000e+00> : vector<1024xf32>
    %reduce_sum3A_2 = vector.multi_reduction <add>, %get3A_1, %reduce_sum3A [0] : vector<32x1024xf32> to vector<1024xf32>
    %add3A = arith.constant 1.000000e+00 : f32
    %add3A_3 = vector.broadcast %add3A : f32 to vector<1024xf32>
    %add3A_4 = arith.addf %reduce_sum3A_2, %add3A_3 : vector<1024xf32>
    %rsqrt3A = math.rsqrt %add3A_4 : vector<1024xf32>
    %get3A_5 = arith.constant 0 : index
    %get3A_6 = arith.constant 0 : index
    %get3A_7 = arith.constant 0 : index
    %get3A_8 = vector.load %arg1[%get3A_5, %get3A_6, %get3A_7] : memref<2x1024x16xf32, #tpu.memory_space<vmem>>, vector<1x1024x16xf32>
    %get3A_9 = vector.shape_cast %get3A_8 : vector<1x1024x16xf32> to vector<1024x16xf32>
    %get3A_10 = arith.constant 1 : index
    %get3A_11 = arith.constant 0 : index
    %get3A_12 = arith.constant 0 : index
    %get3A_13 = vector.load %arg1[%get3A_10, %get3A_11, %get3A_12] : memref<2x1024x16xf32, #tpu.memory_space<vmem>>, vector<1x1024x16xf32>
    %get3A_14 = vector.shape_cast %get3A_13 : vector<1x1024x16xf32> to vector<1024x16xf32>
    %add3A_15 = arith.addf %get3A_9, %get3A_14 : vector<1024x16xf32>
    %get3A_16 = arith.constant 0 : index
    %get3A_17 = arith.constant 0 : index
    %get3A_18 = vector.load %arg2[%get3A_16, %get3A_17] : memref<1024x16xf32, #tpu.memory_space<vmem>>, vector<1024x16xf32>
    %add3A_19 = arith.addf %add3A_15, %get3A_18 : vector<1024x16xf32>
    %broadcast_in_dim3A = vector.shape_cast %rsqrt3A : vector<1024xf32> to vector<1024x1xf32>
    %mul3A = vector.broadcast %broadcast_in_dim3A : vector<1024x1xf32> to vector<1024x16xf32>
    %mul3A_20 = arith.mulf %add3A_19, %mul3A : vector<1024x16xf32>
    %get3A_21 = arith.constant 0 : index
    %get3A_22 = arith.constant 0 : index
    %get3A_23 = vector.load %arg4[%get3A_21, %get3A_22] : memref<1x16xf32, #tpu.memory_space<vmem>>, vector<1x16xf32>
    %add3A_24 = vector.broadcast %get3A_23 : vector<1x16xf32> to vector<1024x16xf32>
    %add3A_25 = arith.addf %mul3A_20, %add3A_24 : vector<1024x16xf32>
    %reduce_max3A = arith.constant dense<0xFF800000> : vector<1024xf32>
    %reduce_max3A_26 = vector.multi_reduction <maximumf>, %add3A_25, %reduce_max3A [1] : vector<1024x16xf32> to vector<1024xf32>
    %broadcast_in_dim3A_27 = vector.shape_cast %reduce_max3A_26 : vector<1024xf32> to vector<1024x1xf32>
    %sub3A = vector.broadcast %broadcast_in_dim3A_27 : vector<1024x1xf32> to vector<1024x16xf32>
    %sub3A_28 = arith.subf %add3A_25, %sub3A : vector<1024x16xf32>
    %exp3A = math.exp %sub3A_28 : vector<1024x16xf32>
    %reduce_sum3A_29 = arith.constant dense<0.000000e+00> : vector<1024xf32>
    %reduce_sum3A_30 = vector.multi_reduction <add>, %exp3A, %reduce_sum3A_29 [1] : vector<1024x16xf32> to vector<1024xf32>
    %broadcast_in_dim3A_31 = vector.shape_cast %reduce_sum3A_30 : vector<1024xf32> to vector<1024x1xf32>
    %log3A = math.log %broadcast_in_dim3A_31 : vector<1024x1xf32>
    %sub3A_32 = vector.broadcast %broadcast_in_dim3A_27 : vector<1024x1xf32> to vector<1024x16xf32>
    %sub3A_33 = arith.subf %add3A_25, %sub3A_32 : vector<1024x16xf32>
    %sub3A_34 = vector.broadcast %log3A : vector<1024x1xf32> to vector<1024x16xf32>
    %sub3A_35 = arith.subf %sub3A_33, %sub3A_34 : vector<1024x16xf32>
    %swap3A = arith.constant 0 : index
    %swap3A_36 = arith.constant 0 : index
    %swap3A_37 = vector.load %arg5[%swap3A, %swap3A_36] : memref<1024x16xf32, #tpu.memory_space<vmem>>, vector<1024x16xf32>
    tpu.vector_store %arg5[%swap3A, %swap3A_36], %sub3A_35 {strides = array<i32>} : memref<1024x16xf32, #tpu.memory_space<vmem>>, vector<1024x16xf32>,
    return
  }
  func.func @transform_0(%arg0: i32) -> (i32, i32, i32) {
    %c0_i32 = arith.constant 0 : i32
    %c0_i32_0 = arith.constant 0 : i32
    %c0_i32_1 = arith.constant 0 : i32
    return %c0_i32, %arg0, %c0_i32_0 : i32, i32, i32
  }
  func.func @transform_1(%arg0: i32) -> (i32, i32) {
    %c0_i32 = arith.constant 0 : i32
    %c0_i32_0 = arith.constant 0 : i32
    return %arg0, %c0_i32 : i32, i32
  }
  func.func @transform_2(%arg0: i32) -> (i32, i32) {
    %c0_i32 = arith.constant 0 : i32
    %c0_i32_0 = arith.constant 0 : i32
    return %c0_i32, %arg0 : i32, i32
  }
  func.func @transform_3(%arg0: i32) -> (i32, i32) {
    %c0_i32 = arith.constant 0 : i32
    %c0_i32_0 = arith.constant 0 : i32
    %c0_i32_1 = arith.constant 0 : i32
    return %c0_i32, %c0_i32_0 : i32, i32
  }
  func.func @transform_4(%arg0: i32) -> (i32, i32) {
    %c0_i32 = arith.constant 0 : i32
    %c0_i32_0 = arith.constant 0 : i32
    return %arg0, %c0_i32 : i32, i32
  }
}

</mosaic_0001>

<sc_bundles>
// kernel: kernel.11.cloned.1.call-start
scs
__scs_entry_jumppad:
0x0: {  	(pc) =	sbr.rel $0x88, $3  }
0x1: {  	(tag) =	ssettag $0x0;
	lr =	simm.s32 $0x1  }
0x2: {  	[smem:$0x3F9B] =	sst lr;
	_ =	strace $0xD0000000  }
0x3: {  	_ = 	snop  }
0x4: {  	_ = 	snop  }
0x5: {  	_ = 	snop  }
0x6: {  	_ = 	snop  }
0x7: {  	_ = 	snop  }
__scs_overlays_trampoline_lowered:
0x8: {  	[smem:$0x3FAA] =	sst s0  }
0x9: {  	[smem:$0x3FAB] =	sst s1  }
0xa: {  	[smem:$0x3FAC] =	sst s2  }
0xb: {  	[smem:$0x3FAD] =	sst s3  }
0xc: {  	[smem:$0x3FAE] =	sst s4  }
0xd: {  	[smem:$0x3FAF] =	sst s5  }
0xe: {  	[smem:$0x3FB0] =	sst s6  }
0xf: {  	[smem:$0x3FB1] =	sst s7  }
0x10: {  	[smem:$0x3FB2] =	sst s8  }
0x11: {  	[smem:$0x3FB3] =	sst s9;
	s0 =	simm.s32 @!p0 $0x0  }
0x12: {  	s1 =	sld [smem:$0x3F99];
	s0 =	simm.s32 @p0 $0x1  }
0x13: {  	[smem:$0x3FB4] =	sst s0;
	s0 =	simm.s32 @!p1 $0x0  }
0x14: {  	s2 =	sld [smem:$0x3F98];
	s0 =	simm.s32 @p1 $0x1  }
0x15: {  	[smem:$0x3FB5] =	sst s0;
	s0 =	simm.s32 @!p2 $0x0  }
0x16: {  	s3 =	sld [smem:$0x3FDB];
	s0 =	simm.s32 @p2 $0x1  }
0x17: {  	s4 =	simm.s32 $0x1BF5;
	[smem:$0x3FB7] =	sst s0  }
0x18: {  	s0 =	sld [smem:$0x3F9A];
	_ =	swait.ge [sflag:s4], $0x0  }
0x19: {  	s7 =	sld [smem:$0x3F9B]  }
0x1a: {  	s8 =	sadd.s32 $0xFFFFE003, lr  }
0x1b: {  	s9 =	sadd.s32 $0xFFFFFEF7, lr;
	s5 =	simm.s32 $0xFFFFFFFF;
	p2 =	slt.u32 s8, $0xFFFFF086  }
0x1c: {  	p1 =	slt.u32 s9, $0xF7A;
	s5 =	simm.s32 @!p2 $0x0  }
0x1d: {  	s5 =	simm.s32 @p1 $0x1;
	p0 =	seq.s32 s7, s2  }
0x1e: {  	s7 =	smul.u32 @!p0 $0xF7A, s2;
	p2 =	seq.s32 @!p0 s5, $0x0  }
0x1f: {  	s9 =	smul.u32 $0xF7A, s1;
	s8 =	simm.s32 @!p0 $0x1BF5;
	p2 =	por !p2, p0  }
0x20: {  	[sflag:s8] =	ssyncset.s32 @!p0 $0xFFFFF086;
	s6 =	sadd.s32 @!p0 s3, s7;
	s7 =	simm.s32 @!p0 $0x108  }
0x21: {  	s3 =	sadd.s32 s3, s9;
	s6 =	sadd.s32 @!p0 $0x88, s6;
	s7 =	simm.s32 @p2 $0x1082  }
0x22: {  	[simem:s7], [sflag:s8] =	dma.local @!p0 [hbm:s6], $0xF7A  }
0x23: {  	s9 =	sor.u32 $0xD0000000, s2;
	s6 =	simm.s32 $0x108;
	_ =	swait.ge @!p0 [sflag:s8], $0x0  }
0x24: {  	s3 =	sadd.s32 $0x88, s3;
	s6 =	simm.s32 @!p1 $0x1082;
	[sflag:s4] =	ssyncset.s32 $0xFFFFF086  }
0x25: {  	[simem:s6], [sflag:s4] =	dma.local [hbm:s3], $0xF7A  }
0x26: {  	[smem:$0x3F9B] =	sst s1;
	(tag) =	ssettag s2;
	_ =	strace s9  }
0x27: {  	s1 =	sld [smem:$0x3FAB]  }
0x28: {  	s2 =	sld [smem:$0x3FAC]  }
0x29: {  	s4 =	sld [smem:$0x3FAE]  }
0x2a: {  	p0 =	seq.s32 s5, $0x0;
	s5 =	sld [smem:$0x3FAF]  }
0x2b: {  	s6 =	sld [smem:$0x3FB0]  }
0x2c: {  	s7 =	sld [smem:$0x3FB1]  }
0x2d: {  	s3 =	simm.s32 $0x108;
	s8 =	sld [smem:$0x3FB2]  }
0x2e: {  	s3 =	simm.s32 @!p0 $0x1082;
	s9 =	sld [smem:$0x3FB3]  }
0x2f: {  	lr =	sadd.s32 s0, s3;
	s0 =	sld [smem:$0x3FAA]  }
0x30: {  	s3 =	sld [smem:$0x3FAD]  }
0x31: {  	[smem:$0x3FB6] =	sst s10  }
0x32: {  	s10 =	sld [smem:$0x3FB4];
	_ =	sdelay $0x3  }
0x33: {  	p0 =	seq.s32 s10, $0x1;
	s10 =	sld [smem:$0x3FB6];
	_ =	sdelay $0x3  }
0x34: {  	[smem:$0x3FB6] =	sst s10  }
0x35: {  	s10 =	sld [smem:$0x3FB5];
	_ =	sdelay $0x3  }
0x36: {  	p1 =	seq.s32 s10, $0x1;
	s10 =	sld [smem:$0x3FB6];
	_ =	sdelay $0x3  }
0x37: {  	[smem:$0x3FB6] =	sst s10  }
0x38: {  	s10 =	sld [smem:$0x3FB7]  }
0x39: {  	_ = 	snop;
	(pc) =	sbr.ind lr, $3  }
0x3a: {  	_ = 	snop  }
0x3b: {  	_ = 	snop  }
0x3c: {  	p2 =	seq.s32 s10, $0x1;
	s10 =	sld [smem:$0x3FB6]  }
0x3d: {  	_ =	shalt  }
0x3e: {  	_ =	shalt  }
0x3f: {  	_ =	shalt  }
0x40: {  	_ =	shalt  }
0x41: {  	_ =	shalt  }
0x42: {  	_ =	shalt  }
0x43: {  	_ =	shalt  }
0x44: {  	_ =	shalt  }
0x45: {  	_ =	shalt  }
0x46: {  	_ =	shalt  }
0x47: {  	_ =	shalt  }
0x48: {  	_ =	shalt  }
0x49: {  	_ =	shalt  }
0x4a: {  	_ =	shalt  }
0x4b: {  	_ =	shalt  }
0x4c: {  	_ =	shalt  }
0x4d: {  	_ =	shalt  }
0x4e: {  	_ =	shalt  }
0x4f: {  	_ =	shalt  }
0x50: {  	_ =	shalt  }
0x51: {  	_ =	shalt  }
0x52: {  	_ =	shalt  }
0x53: {  	_ =	shalt  }
0x54: {  	_ =	shalt  }
0x55: {  	_ =	shalt  }
0x56: {  	_ =	shalt  }
0x57: {  	_ =	shalt  }
0x58: {  	_ =	shalt  }
0x59: {  	_ =	shalt  }
0x5a: {  	_ =	shalt  }
0x5b: {  	_ =	shalt  }
0x5c: {  	_ =	shalt  }
0x5d: {  	_ =	shalt  }
0x5e: {  	_ =	shalt  }
0x5f: {  	_ =	shalt  }
0x60: {  	_ =	shalt  }
0x61: {  	_ =	shalt  }
0x62: {  	_ =	shalt  }
0x63: {  	_ =	shalt  }
0x64: {  	_ =	shalt  }
0x65: {  	_ =	shalt  }
0x66: {  	_ =	shalt  }
0x67: {  	_ =	shalt  }
0x68: {  	_ =	shalt  }
0x69: {  	_ =	shalt  }
0x6a: {  	_ =	shalt  }
0x6b: {  	_ =	shalt  }
0x6c: {  	_ =	shalt  }
0x6d: {  	_ =	shalt  }
0x6e: {  	_ =	shalt  }
0x6f: {  	_ =	shalt  }
0x70: {  	_ =	shalt  }
0x71: {  	_ =	shalt  }
0x72: {  	_ =	shalt  }
0x73: {  	_ =	shalt  }
0x74: {  	_ =	shalt  }
0x75: {  	_ =	shalt  }
0x76: {  	_ =	shalt  }
0x77: {  	_ =	shalt  }
0x78: {  	_ =	shalt  }
0x79: {  	_ =	shalt  }
0x7a: {  	_ =	shalt  }
0x7b: {  	_ =	shalt  }
0x7c: {  	_ =	shalt  }
0x7d: {  	_ =	shalt  }
0x7e: {  	_ =	shalt  }
0x7f: {  	_ =	shalt  }
0x80: {  	_ =	shalt  }
0x81: {  	_ =	shalt  }
0x82: {  	_ =	shalt  }
0x83: {  	_ =	shalt  }
0x84: {  	_ =	shalt  }
0x85: {  	_ =	shalt  }
0x86: {  	_ =	shalt  }
0x87: {  	_ =	shalt  }
.Lfunc_end0:
.L_simem_size_0:
called_computation.1_lowered:
.L_overlay_start_0:
0x88: {  	s2 =	sld [smem:$0x3FD9]  }
0x89: {  	s3 =	sld [smem:$0x3FFE];
	_ =	sdelay $0x1  }
0x8a: {  	s1 =	srdreg.scid  }
0x8b: {  	s0 =	sand.u32 $0x1, s1  }
0x8c: {  	s16 =	sshll.u32 s0, $0xA;
	s2 =	sadd.s32 s3, s2  }
0x8d: {  	s2 =	sadd.s32 s2, s16  }
0x8e: {  	[smem:$0x3FC2] =	sst s2  }
0x8f: {  	_ = 	snop  }
0x90: {  	(tm) =	ssettm $0x1  }
0x91: {  	s17 =	sld [smem:$0x3FFB];
	_ =	sdelay $0x3  }
0x92: {  	_ =	strace s17  }
0x93: {  	s2 =	sld [smem:$0x3FFC];
	_ =	sdelay $0x3  }
0x94: {  	_ =	strace s2  }
0x95: {  	s2 =	sld [smem:$0x3FFD];
	_ =	sdelay $0x3  }
0x96: {  	_ =	strace s2  }
0x97: {  	_ =	strace $0x8FFFFFFF  }
0x98: {  	s18 =	sld [smem:$0x3FDB];
	_ =	sdelay $0x1  }
0x99: {  	s19 =	simm.s32 $_scs_section_size  }
0x9a: {  	s4 =	simm.s32 $_size__tile_overlayer_lowered;
	s5 =	simm.s32 $_tile_overlayer_lowered  }
0x9b: {  	s22 =	simm.s32 $0x1BFF;
	s21 =	sshll.u32 s5, $0x1;
	s2 =	sadd.s32 s19, s18  }
0x9c: {  	s6 =	simm.s32 $0x0;
	s20 =	sshll.u32 s4, $0x1;
	s4 =	sadd.s32 s21, s2  }
0x9d: {  	[timem:s6], [sflag:s22] =	dma.local [hbm:s4], s20  }
0x9e: {  	_ =	swait.ge [sflag:s22], s20  }
0x9f: {  	s3 =	ssub.s32 $0x0, s20;
	[sflag:s22] =	ssyncset.done $0x0  }
0xa0: {  	[sflag:s22] =	ssyncadd.s32 s3;
	_ =	sdelay $0x1  }
0xa1: {  	s23 =	simm.s32 $0x1B8B  }
0xa2: {  	_ =	swait.ge [sflag:s23], $0x1  }
0xa3: {  	[sflag:s23] =	ssyncset.done $0x0  }
0xa4: {  	s25 =	simm.s32 $0x1B8E;
	s24 =	sld [smem:$0x3FFE];
	[sflag:s23] =	ssyncadd.s32 $0xFFFFFFFF  }
0xa5: {  	s26 =	simm.s32 $execute0_lowered;
	[smem:$0x3FD2] =	sst s25  }
0xa6: {  	s4 =	sshll.u32 s26, $0x1;
	_ =	strace $0x80000049;
	[dreg:$0x1] =	wrdreg $0xFFFFFFFF  }
0xa7: {  	s28 =	simm.s32 $_size_execute0_lowered;
	s2 =	sadd.s32 s2, s4;
	[dreg:$0x0] =	wrdreg $0x0  }
0xa8: {  	s4 =	sshll.u32 s28, $0x1;
	[dreg:$0x2] =	wrdreg s2  }
0xa9: {  	[dreg:$0x3] =	wrdreg s4  }
0xaa: {  	[dreg:$0x4] =	wrdreg $0xC0  }
0xab: {  	_ =	task [dreg:s6], $0x5FFFF  }
0xac: {  	[dreg:$0x1] =	wrdreg $0xFFFFFFFF  }
0xad: {  	[dreg:$0x0] =	wrdreg $0x60  }
0xae: {  	[dreg:$0x2] =	wrdreg s24  }
0xaf: {  	[dreg:$0x3] =	wrdreg $0x0  }
0xb0: {  	[dreg:$0x4] =	wrdreg $0x9  }
0xb1: {  	_ =	task.clear_ibuf [dreg:s6], $0x5FFFF;
	_ =	strace $0x90000049  }
0xb2: {  	s29 =	simm.s32 $0x9;
	_ =	strace $0x8000004B  }
0xb3: {  	_ =	swait.ge [sflag:s29], $0x1  }
0xb4: {  	[sflag:s29] =	ssyncadd.s32 $0xFFFFFFFF  }
0xb5: {  	_ =	strace $0x9000004B  }
0xb6: {  	_ =	sfence  }
0xb7: {  	s30 =	sld [smem:$0x0];
	_ =	sdelay $0x2  }
0xb8: {  	s31 =	sshll.u32 s1, $0xD;
	s1 =	sshrl.u32 s1, $0x2  }
0xb9: {  	s3 =	sand.u32 $0x4000, s31;
	s1 =	sadd.s32 s1, s30  }
0xba: {  	s0 =	sor.u32 s3, s0;
	s1 =	sshll.u32 s1, $0x11  }
0xbb: {  	s0 =	sor.u32 s1, s0  }
0xbc: {  	s0 =	sadd.s32 $0x8F2B, s0  }
0xbd: {  	[sflag:s0] =	ssyncadd.remote.s32 $0x1  }
0xbe: {  	_ =	sfence.sel $0xFFFF  }
0xbf: {  	[dreg:$0x0] =	wrdreg $0xFFFFFFFF;
	(pc) =	sbr.abs _section_cstart, $3  }
0xc0: {  	[dreg:$0x1] =	wrdreg $0xFFFFFFFF  }
0xc1: {  	_ =	task.clear_ibuf [dreg:s6], $0x2FFFF;
	_ =	strace $0x9FFFFFFF  }
0xc2: {  	(tm) =	ssettm $0x7FFFFFFF  }
0xc3: {  	_ =	shalt  }
tec
execute0_lowered:
.L_overlay_start_1:
0x0: {  	(tag) =	ssettag $0x1  }
0x1: {  	s5 =	rddreg [dreg:$0x0]  }
0x2: {  	s2 =	rddreg [dreg:$0x1]  }
0x3: {  	s0 =	srdreg.scid;
	s1 =	rddreg [dreg:$0x2]  }
0x4: {  	s3 =	simm.s32 $0x0;
	s11 =	simm.s32 $0x2;
	s6 =	sand.u32 $0x1, s0  }
0x5: {  	s12 =	simm.s32 $0x14000;
	s0 =	stileid.u32;
	s4 =	smul.u32 $0x27800, s6  }
0x6: {  	s13 =	simm.s32 $0x14080;
	s14 =	simm.s32 $0x80;
	s7 =	smul.u32 $0x2780, s0  }
0x7: {  	s15 =	simm.s32 $0x14100;
	s16 =	simm.s32 $0x1;
	s8 =	smul.u32 $0x1400, s0  }
0x8: {  	s19 =	simm.s32 $0x0;
	[smem:$0x7FF] =	sst s3;
	s30 =	smul.u32 $0x14000, s6  }
0x9: {  	s10 =	smul.u32 $0x28000, s0;
	s6 =	ssub.s32 $0x2, s6;
	s17 =	sshll.u32 s0, $0x6  }
0xa: {  	_ =	strace $0x8000004A;
	s31 =	sshrl.u32 s6, $0x1;
	s17 =	sor.u32 $0x1C02, s17  }
0xb: {  	s4 =	sadd.s32 s7, s4;
	s7 =	sadd.s32 s8, s30;
	s10 =	sshrl.u32 s10, $0x2  }
0xc: {  	s8 =	ssub.s32 s6, s31;
	s9 =	sshrl.u32 s4, $0x3;
	s4 =	sadd.s32 $0x1F000, s5  }
0xd: {  	s7 =	sadd.s32 s7, s5;
	s9 =	sadd.s32 s9, s5;
	s5 =	sadd.s32 s10, s2  }
0xe: {  	s6 =	sadd.s32 $0x33000, s7;
	s7 =	smax.u32 s8, $0x1;
	s10 =	simm.s32 $0xA000  }
0xf: {  	v0 =	vimm.f32 $0.0e+00;
	s8 =	sadd.s32 $0x1400, s9;
	s9 =	sadd.s32 $0x15200, s9;
	s18 =	sshrl.u32 s5, $0x3  }
.LBB2_1:
0x10: {  	s21 =	simm.s32 $0x100;
	s20 =	simm.s32 $0x0  }
.LBB2_2:
0x11: {  	p0 =	sne.s32 s21, $0x27F00;
	[tilespmem:s20+$0xA030] =	vst v0;
	s22 =	smov.u32 s21;
	s21 =	sadd.s32 $0x100, s21  }
.Ltmp0:
0x12: {  	[tilespmem:s20+$0xA020] =	vst v0;
	(pc) =	sbr.rel @p0 .LBB2_2-.Ltmp0, $3  }
0x13: {  	[tilespmem:s20+$0xA000] =	vst v0  }
0x14: {  	[tilespmem:s20+$0xA010] =	vst v0;
	_ =	sdelay $0x1  }
0x15: {  	s20 =	sshra.s32 s22, $0x2  }
0x16: {  	[tilespmem:s20+$0xA030] =	vst v0  }
0x17: {  	[tilespmem:s20+$0xA020] =	vst v0  }
0x18: {  	[tilespmem:s20+$0xA000] =	vst v0  }
0x19: {  	[tilespmem:s20+$0xA010] =	vst v0  }
0x1a: {  	[spmem:s5] =	stream.linear.scatter [tilespmem:s10], [sflag:$0x2], $0xA000, $0x38;
	[tilespmem:$0x16100] =	vst v63  }
0x1b: {  	_ =	swait.ge [sflag:s11], $0xA000  }
0x1c: {  	[sflag:s11] =	ssyncset.done $0x0  }
0x1d: {  	[sflag:s11] =	ssyncadd.s32 $0xFFFF6000  }
0x1e: {  	s30 =	sadd.s32 $0x0, s9;
	[bflag:$0x0] =	sbarrier.arrive $0xFFFF  }
0x1f: {  	[tilespmem:s12], [sflag:$0x2] =	stream.linear.gather [hbm4b:s30+s3], $0x80, $0x38;
	[tilespmem:$0x16100] =	vst v63  }
0x20: {  	_ =	swait.ge [sflag:s11], $0x80  }
0x21: {  	[sflag:s11] =	ssyncset.done $0x0  }
0x22: {  	s31 =	sadd.s32 $0x0, s8;
	[sflag:s11] =	ssyncadd.s32 $0xFFFFFF80  }
0x23: {  	[tilespmem:s13], [sflag:$0x2] =	stream.linear.gather [hbm4b:s31+s3], $0x80, $0x38;
	[tilespmem:$0x16100] =	vst v63  }
0x24: {  	_ =	swait.ge [sflag:s11], $0x80  }
0x25: {  	[sflag:s11] =	ssyncset.done $0x0  }
0x26: {  	[sflag:s11] =	ssyncadd.s32 $0xFFFFFF80  }
0x27: {  	[tilespmem:s15], [sflag:$0x1] =	stream.indirect.gather [hbm4b:s4+s14], $0x40, s12, s14, $0xb8;
	[tilespmem:$0x16100] =	vst v63  }
0x28: {  	_ =	swait.ge [sflag:s16], $0x2000  }
0x29: {  	[sflag:s16] =	ssyncset.done $0x0  }
0x2a: {  	[sflag:s16] =	ssyncadd.s32 $0xFFFFE000  }
0x2b: {  	[spmem:s2] =	stream.indirect.scatter.add.f32 [tilespmem:s15], [sflag:$0x2], $0x40, s13, s14, $0xb8;
	[tilespmem:$0x16100] =	vst v63  }
0x2c: {  	_ =	swait.ge [sflag:s11], $0x2000  }
0x2d: {  	s20 =	simm.s32 $0x10;
	s21 =	simm.s32 $0x20;
	[sflag:s11] =	ssyncset.done $0x0  }
.LBB2_4:
0x2e: {  	s22 =	sadd.s32 s20, s9  }
0x2f: {  	[sflag:s11] =	ssyncadd.s32 $0xFFFFE000;
	s23 =	smov.u32 s21;
	s24 =	sadd.s32 $0x10, s21  }
0x30: {  	[tilespmem:s12], [sflag:$0x2] =	stream.linear.gather [hbm4b:s22+s3], $0x80, $0x38;
	[tilespmem:$0x16100] =	vst v63  }
0x31: {  	p0 =	sne.s32 s21, $0x4E0;
	_ =	swait.ge [sflag:s11], $0x80  }
0x32: {  	[sflag:s11] =	ssyncset.done $0x0  }
0x33: {  	s21 =	sadd.s32 s20, s8;
	s20 =	smov.u32 s23;
	[sflag:s11] =	ssyncadd.s32 $0xFFFFFF80  }
0x34: {  	[tilespmem:s13], [sflag:$0x2] =	stream.linear.gather [hbm4b:s21+s3], $0x80, $0x38;
	[tilespmem:$0x16100] =	vst v63  }
0x35: {  	_ =	swait.ge [sflag:s11], $0x80  }
0x36: {  	[sflag:s11] =	ssyncset.done $0x0  }
0x37: {  	[sflag:s11] =	ssyncadd.s32 $0xFFFFFF80  }
0x38: {  	[tilespmem:s15], [sflag:$0x1] =	stream.indirect.gather [hbm4b:s4+s14], $0x40, s12, s14, $0xb8;
	[tilespmem:$0x16100] =	vst v63  }
0x39: {  	_ =	swait.ge [sflag:s16], $0x2000  }
.Ltmp1:
0x3a: {  	[sflag:s16] =	ssyncset.done $0x0;
	(pc) =	sbr.rel @p0 .LBB2_4-.Ltmp1, $4  }
0x3b: {  	[sflag:s16] =	ssyncadd.s32 $0xFFFFE000  }
0x3c: {  	[spmem:s2] =	stream.indirect.scatter.add.f32 [tilespmem:s15], [sflag:$0x2], $0x40, s13, s14, $0xb8;
	[tilespmem:$0x16100] =	vst v63  }
0x3d: {  	_ =	swait.ge [sflag:s11], $0x2000  }
0x3e: {  	s21 =	smov.u32 s24;
	[sflag:s11] =	ssyncset.done $0x0  }
0x3f: {  	s21 =	sadd.s32 s20, s9;
	[sflag:s11] =	ssyncadd.s32 $0xFFFFE000  }
0x40: {  	[tilespmem:s12], [sflag:$0x2] =	stream.linear.gather [hbm4b:s21+s3], $0x80, $0x38;
	[tilespmem:$0x16100] =	vst v63  }
0x41: {  	_ =	swait.ge [sflag:s11], $0x80  }
0x42: {  	[sflag:s11] =	ssyncset.done $0x0  }
0x43: {  	s31 =	sadd.s32 s20, s8;
	[sflag:s11] =	ssyncadd.s32 $0xFFFFFF80  }
0x44: {  	[tilespmem:s13], [sflag:$0x2] =	stream.linear.gather [hbm4b:s31+s3], $0x80, $0x38;
	[tilespmem:$0x16100] =	vst v63  }
0x45: {  	_ =	swait.ge [sflag:s11], $0x80  }
0x46: {  	[sflag:s11] =	ssyncset.done $0x0  }
0x47: {  	[sflag:s11] =	ssyncadd.s32 $0xFFFFFF80  }
0x48: {  	[tilespmem:s15], [sflag:$0x1] =	stream.indirect.gather [hbm4b:s4+s14], $0x40, s12, s14, $0xb8;
	[tilespmem:$0x16100] =	vst v63  }
0x49: {  	_ =	swait.ge [sflag:s16], $0x2000  }
0x4a: {  	[sflag:s16] =	ssyncset.done $0x0  }
0x4b: {  	[sflag:s16] =	ssyncadd.s32 $0xFFFFE000  }
0x4c: {  	[spmem:s2] =	stream.indirect.scatter.add.f32 [tilespmem:s15], [sflag:$0x2], $0x40, s13, s14, $0xb8;
	[tilespmem:$0x16100] =	vst v63  }
0x4d: {  	_ =	swait.ge [sflag:s11], $0x2000  }
0x4e: {  	s19 =	sadd.s32 $0x1, s19;
	[sflag:s11] =	ssyncset.done $0x0  }
0x4f: {  	p0 =	sne.s32 s19, s7;
	[sflag:s11] =	ssyncadd.s32 $0xFFFFE000  }
.Ltmp2:
0x50: {  	[bflag:$0x0] =	sbarrier.arrive $0xFFFF;
	(pc) =	sbr.rel @p0 .LBB2_1-.Ltmp2, $4  }
0x51: {  	[hbm:s6], [sflag:s17] =	dma.local [spmem:s18], $0x1400  }
0x52: {  	_ =	swait.ge [sflag:s11], $0x1400  }
0x53: {  	[sflag:s11] =	ssyncset.done $0x0  }
0x54: {  	[sflag:s11] =	ssyncadd.s32 $0xFFFFEC00  }
0x55: {  	_ =	sfence.sel $0x180000  }
0x56: {  	[bflag:$0x0] =	sbarrier.arrive $0xFFFF  }
0x57: {  	p0 =	sne.s32 s0, $0x0;
	_ =	strace $0x9000004A  }
0x58: {  	s0 =	sadd.s32 @!p0 $0x100000, s1;
	[bflag:$0x2] =	sbarrier.arrive $0xFFFF  }
0x59: {  	[sflag:s0] =	ssyncadd.tile.s32 @!p0 $0x1;
	_ =	shalt  }
.Lfunc_end2:
_tile_overlayer_lowered:
.L_overlay_start_2:
0x5a: {  	(tag) =	ssettag $0x2  }
0x5b: {  	s0 =	rddreg [dreg:$0x0];
	s2 =	stileid.u32  }
0x5c: {  	s1 =	rddreg [dreg:$0x1];
	p0 =	sne.s32 s2, $0x0  }
0x5d: {  	s3 =	rddreg [dreg:$0x2];
	[bflag:$0x3] =	sbarrier.arrive $0xFFFF;
	s2 =	simm.s32 @!p0 $0x1C02  }
0x5e: {  	[timem:s3], [sflag:s2] =	dma.local @!p0 [hbm:s0], s1  }
0x5f: {  	s0 =	simm.s32 @!p0 $0x2  }
0x60: {  	_ =	swait.ge @!p0 [sflag:s0], s1  }
0x61: {  	s1 =	ssub.s32 @!p0 $0x0, s1;
	[sflag:s0] =	ssyncset.done @!p0 $0x0  }
0x62: {  	[sflag:s0] =	ssyncadd.s32 @!p0 s1  }
0x63: {  	[bflag:$0x3] =	sbarrier.arrive $0xFFFF  }
0x64: {  	_ =	shalt  }

// kernel: kernel.14.cloned.1.call-start
scs
__scs_entry_jumppad:
0x0: {  	(pc) =	sbr.rel $0x88, $3  }
0x1: {  	(tag) =	ssettag $0x0;
	lr =	simm.s32 $0x1  }
0x2: {  	[smem:$0x3F9B] =	sst lr;
	_ =	strace $0xD0000000  }
0x3: {  	_ = 	snop  }
0x4: {  	_ = 	snop  }
0x5: {  	_ = 	snop  }
0x6: {  	_ = 	snop  }
0x7: {  	_ = 	snop  }
__scs_overlays_trampoline_lowered:
0x8: {  	[smem:$0x3FAA] =	sst s0  }
0x9: {  	[smem:$0x3FAB] =	sst s1  }
0xa: {  	[smem:$0x3FAC] =	sst s2  }
0xb: {  	[smem:$0x3FAD] =	sst s3  }
0xc: {  	[smem:$0x3FAE] =	sst s4  }
0xd: {  	[smem:$0x3FAF] =	sst s5  }
0xe: {  	[smem:$0x3FB0] =	sst s6  }
0xf: {  	[smem:$0x3FB1] =	sst s7  }
0x10: {  	[smem:$0x3FB2] =	sst s8  }
0x11: {  	[smem:$0x3FB3] =	sst s9;
	s0 =	simm.s32 @!p0 $0x0  }
0x12: {  	s1 =	sld [smem:$0x3F99];
	s0 =	simm.s32 @p0 $0x1  }
0x13: {  	[smem:$0x3FB4] =	sst s0;
	s0 =	simm.s32 @!p1 $0x0  }
0x14: {  	s2 =	sld [smem:$0x3F98];
	s0 =	simm.s32 @p1 $0x1  }
0x15: {  	[smem:$0x3FB5] =	sst s0;
	s0 =	simm.s32 @!p2 $0x0  }
0x16: {  	s3 =	sld [smem:$0x3FDB];
	s0 =	simm.s32 @p2 $0x1  }
0x17: {  	s4 =	simm.s32 $0x1BF5;
	[smem:$0x3FB7] =	sst s0  }
0x18: {  	s0 =	sld [smem:$0x3F9A];
	_ =	swait.ge [sflag:s4], $0x0  }
0x19: {  	s7 =	sld [smem:$0x3F9B]  }
0x1a: {  	s8 =	sadd.s32 $0xFFFFE003, lr  }
0x1b: {  	s9 =	sadd.s32 $0xFFFFFEF7, lr;
	s5 =	simm.s32 $0xFFFFFFFF;
	p2 =	slt.u32 s8, $0xFFFFF086  }
0x1c: {  	p1 =	slt.u32 s9, $0xF7A;
	s5 =	simm.s32 @!p2 $0x0  }
0x1d: {  	s5 =	simm.s32 @p1 $0x1;
	p0 =	seq.s32 s7, s2  }
0x1e: {  	s7 =	smul.u32 @!p0 $0xF7A, s2;
	p2 =	seq.s32 @!p0 s5, $0x0  }
0x1f: {  	s9 =	smul.u32 $0xF7A, s1;
	s8 =	simm.s32 @!p0 $0x1BF5;
	p2 =	por !p2, p0  }
0x20: {  	[sflag:s8] =	ssyncset.s32 @!p0 $0xFFFFF086;
	s6 =	sadd.s32 @!p0 s3, s7;
	s7 =	simm.s32 @!p0 $0x108  }
0x21: {  	s3 =	sadd.s32 s3, s9;
	s6 =	sadd.s32 @!p0 $0x88, s6;
	s7 =	simm.s32 @p2 $0x1082  }
0x22: {  	[simem:s7], [sflag:s8] =	dma.local @!p0 [hbm:s6], $0xF7A  }
0x23: {  	s9 =	sor.u32 $0xD0000000, s2;
	s6 =	simm.s32 $0x108;
	_ =	swait.ge @!p0 [sflag:s8], $0x0  }
0x24: {  	s3 =	sadd.s32 $0x88, s3;
	s6 =	simm.s32 @!p1 $0x1082;
	[sflag:s4] =	ssyncset.s32 $0xFFFFF086  }
0x25: {  	[simem:s6], [sflag:s4] =	dma.local [hbm:s3], $0xF7A  }
0x26: {  	[smem:$0x3F9B] =	sst s1;
	(tag) =	ssettag s2;
	_ =	strace s9  }
0x27: {  	s1 =	sld [smem:$0x3FAB]  }
0x28: {  	s2 =	sld [smem:$0x3FAC]  }
0x29: {  	s4 =	sld [smem:$0x3FAE]  }
0x2a: {  	p0 =	seq.s32 s5, $0x0;
	s5 =	sld [smem:$0x3FAF]  }
0x2b: {  	s6 =	sld [smem:$0x3FB0]  }
0x2c: {  	s7 =	sld [smem:$0x3FB1]  }
0x2d: {  	s3 =	simm.s32 $0x108;
	s8 =	sld [smem:$0x3FB2]  }
0x2e: {  	s3 =	simm.s32 @!p0 $0x1082;
	s9 =	sld [smem:$0x3FB3]  }
0x2f: {  	lr =	sadd.s32 s0, s3;
	s0 =	sld [smem:$0x3FAA]  }
0x30: {  	s3 =	sld [smem:$0x3FAD]  }
0x31: {  	[smem:$0x3FB6] =	sst s10  }
0x32: {  	s10 =	sld [smem:$0x3FB4];
	_ =	sdelay $0x3  }
0x33: {  	p0 =	seq.s32 s10, $0x1;
	s10 =	sld [smem:$0x3FB6];
	_ =	sdelay $0x3  }
0x34: {  	[smem:$0x3FB6] =	sst s10  }
0x35: {  	s10 =	sld [smem:$0x3FB5];
	_ =	sdelay $0x3  }
0x36: {  	p1 =	seq.s32 s10, $0x1;
	s10 =	sld [smem:$0x3FB6];
	_ =	sdelay $0x3  }
0x37: {  	[smem:$0x3FB6] =	sst s10  }
0x38: {  	s10 =	sld [smem:$0x3FB7]  }
0x39: {  	_ = 	snop;
	(pc) =	sbr.ind lr, $3  }
0x3a: {  	_ = 	snop  }
0x3b: {  	_ = 	snop  }
0x3c: {  	p2 =	seq.s32 s10, $0x1;
	s10 =	sld [smem:$0x3FB6]  }
0x3d: {  	_ =	shalt  }
0x3e: {  	_ =	shalt  }
0x3f: {  	_ =	shalt  }
0x40: {  	_ =	shalt  }
0x41: {  	_ =	shalt  }
0x42: {  	_ =	shalt  }
0x43: {  	_ =	shalt  }
0x44: {  	_ =	shalt  }
0x45: {  	_ =	shalt  }
0x46: {  	_ =	shalt  }
0x47: {  	_ =	shalt  }
0x48: {  	_ =	shalt  }
0x49: {  	_ =	shalt  }
0x4a: {  	_ =	shalt  }
0x4b: {  	_ =	shalt  }
0x4c: {  	_ =	shalt  }
0x4d: {  	_ =	shalt  }
0x4e: {  	_ =	shalt  }
0x4f: {  	_ =	shalt  }
0x50: {  	_ =	shalt  }
0x51: {  	_ =	shalt  }
0x52: {  	_ =	shalt  }
0x53: {  	_ =	shalt  }
0x54: {  	_ =	shalt  }
0x55: {  	_ =	shalt  }
0x56: {  	_ =	shalt  }
0x57: {  	_ =	shalt  }
0x58: {  	_ =	shalt  }
0x59: {  	_ =	shalt  }
0x5a: {  	_ =	shalt  }
0x5b: {  	_ =	shalt  }
0x5c: {  	_ =	shalt  }
0x5d: {  	_ =	shalt  }
0x5e: {  	_ =	shalt  }
0x5f: {  	_ =	shalt  }
0x60: {  	_ =	shalt  }
0x61: {  	_ =	shalt  }
0x62: {  	_ =	shalt  }
0x63: {  	_ =	shalt  }
0x64: {  	_ =	shalt  }
0x65: {  	_ =	shalt  }
0x66: {  	_ =	shalt  }
0x67: {  	_ =	shalt  }
0x68: {  	_ =	shalt  }
0x69: {  	_ =	shalt  }
0x6a: {  	_ =	shalt  }
0x6b: {  	_ =	shalt  }
0x6c: {  	_ =	shalt  }
0x6d: {  	_ =	shalt  }
0x6e: {  	_ =	shalt  }
0x6f: {  	_ =	shalt  }
0x70: {  	_ =	shalt  }
0x71: {  	_ =	shalt  }
0x72: {  	_ =	shalt  }
0x73: {  	_ =	shalt  }
0x74: {  	_ =	shalt  }
0x75: {  	_ =	shalt  }
0x76: {  	_ =	shalt  }
0x77: {  	_ =	shalt  }
0x78: {  	_ =	shalt  }
0x79: {  	_ =	shalt  }
0x7a: {  	_ =	shalt  }
0x7b: {  	_ =	shalt  }
0x7c: {  	_ =	shalt  }
0x7d: {  	_ =	shalt  }
0x7e: {  	_ =	shalt  }
0x7f: {  	_ =	shalt  }
0x80: {  	_ =	shalt  }
0x81: {  	_ =	shalt  }
0x82: {  	_ =	shalt  }
0x83: {  	_ =	shalt  }
0x84: {  	_ =	shalt  }
0x85: {  	_ =	shalt  }
0x86: {  	_ =	shalt  }
0x87: {  	_ =	shalt  }
.Lfunc_end0:
.L_simem_size_0:
called_computation.2_lowered:
.L_overlay_start_0:
0x88: {  	s2 =	sld [smem:$0x3FD9]  }
0x89: {  	s3 =	sld [smem:$0x3FFE];
	_ =	sdelay $0x1  }
0x8a: {  	s1 =	srdreg.scid  }
0x8b: {  	s0 =	sand.u32 $0x1, s1  }
0x8c: {  	s16 =	sshll.u32 s0, $0xA;
	s2 =	sadd.s32 s3, s2  }
0x8d: {  	s2 =	sadd.s32 s2, s16  }
0x8e: {  	[smem:$0x3FC2] =	sst s2  }
0x8f: {  	_ = 	snop  }
0x90: {  	(tm) =	ssettm $0x1  }
0x91: {  	s17 =	sld [smem:$0x3FFB];
	_ =	sdelay $0x3  }
0x92: {  	_ =	strace s17  }
0x93: {  	s2 =	sld [smem:$0x3FFC];
	_ =	sdelay $0x3  }
0x94: {  	_ =	strace s2  }
0x95: {  	s2 =	sld [smem:$0x3FFD];
	_ =	sdelay $0x3  }
0x96: {  	_ =	strace s2  }
0x97: {  	_ =	strace $0x8FFFFFFF  }
0x98: {  	s18 =	sld [smem:$0x3FDB];
	_ =	sdelay $0x1  }
0x99: {  	s19 =	simm.s32 $_scs_section_size  }
0x9a: {  	s4 =	simm.s32 $_size__tile_overlayer_lowered;
	s5 =	simm.s32 $_tile_overlayer_lowered  }
0x9b: {  	s22 =	simm.s32 $0x1BFF;
	s21 =	sshll.u32 s5, $0x1;
	s2 =	sadd.s32 s19, s18  }
0x9c: {  	s6 =	simm.s32 $0x0;
	s20 =	sshll.u32 s4, $0x1;
	s4 =	sadd.s32 s21, s2  }
0x9d: {  	[timem:s6], [sflag:s22] =	dma.local [hbm:s4], s20  }
0x9e: {  	_ =	swait.ge [sflag:s22], s20  }
0x9f: {  	s3 =	ssub.s32 $0x0, s20;
	[sflag:s22] =	ssyncset.done $0x0  }
0xa0: {  	[sflag:s22] =	ssyncadd.s32 s3;
	_ =	sdelay $0x1  }
0xa1: {  	s23 =	simm.s32 $0x1B8B  }
0xa2: {  	_ =	swait.ge [sflag:s23], $0x1  }
0xa3: {  	[sflag:s23] =	ssyncset.done $0x0  }
0xa4: {  	s25 =	simm.s32 $0x1B8E;
	s24 =	sld [smem:$0x3FFE];
	[sflag:s23] =	ssyncadd.s32 $0xFFFFFFFF  }
0xa5: {  	s26 =	simm.s32 $execute0_lowered;
	[smem:$0x3FD2] =	sst s25  }
0xa6: {  	s4 =	sshll.u32 s26, $0x1;
	_ =	strace $0x8000004C;
	[dreg:$0x1] =	wrdreg $0xFFFFFFFF  }
0xa7: {  	s28 =	simm.s32 $_size_execute0_lowered;
	s2 =	sadd.s32 s2, s4;
	[dreg:$0x0] =	wrdreg $0x0  }
0xa8: {  	s4 =	sshll.u32 s28, $0x1;
	[dreg:$0x2] =	wrdreg s2  }
0xa9: {  	[dreg:$0x3] =	wrdreg s4  }
0xaa: {  	[dreg:$0x4] =	wrdreg $0xC0  }
0xab: {  	_ =	task [dreg:s6], $0x5FFFF  }
0xac: {  	[dreg:$0x1] =	wrdreg $0xFFFFFFFF  }
0xad: {  	[dreg:$0x0] =	wrdreg $0x60  }
0xae: {  	[dreg:$0x2] =	wrdreg s24  }
0xaf: {  	[dreg:$0x3] =	wrdreg $0x0  }
0xb0: {  	[dreg:$0x4] =	wrdreg $0x9  }
0xb1: {  	_ =	task.clear_ibuf [dreg:s6], $0x5FFFF;
	_ =	strace $0x9000004C  }
0xb2: {  	s29 =	simm.s32 $0x9;
	_ =	strace $0x8000004E  }
0xb3: {  	_ =	swait.ge [sflag:s29], $0x1  }
0xb4: {  	[sflag:s29] =	ssyncadd.s32 $0xFFFFFFFF  }
0xb5: {  	_ =	strace $0x9000004E  }
0xb6: {  	_ =	sfence  }
0xb7: {  	s30 =	sld [smem:$0x0];
	_ =	sdelay $0x2  }
0xb8: {  	s31 =	sshll.u32 s1, $0xD;
	s1 =	sshrl.u32 s1, $0x2  }
0xb9: {  	s3 =	sand.u32 $0x4000, s31;
	s1 =	sadd.s32 s1, s30  }
0xba: {  	s0 =	sor.u32 s3, s0;
	s1 =	sshll.u32 s1, $0x11  }
0xbb: {  	s0 =	sor.u32 s1, s0  }
0xbc: {  	s0 =	sadd.s32 $0x8F2B, s0  }
0xbd: {  	[sflag:s0] =	ssyncadd.remote.s32 $0x1  }
0xbe: {  	_ =	sfence.sel $0xFFFF  }
0xbf: {  	[dreg:$0x0] =	wrdreg $0xFFFFFFFF;
	(pc) =	sbr.abs _section_cstart, $3  }
0xc0: {  	[dreg:$0x1] =	wrdreg $0xFFFFFFFF  }
0xc1: {  	_ =	task.clear_ibuf [dreg:s6], $0x2FFFF;
	_ =	strace $0x9FFFFFFF  }
0xc2: {  	(tm) =	ssettm $0x7FFFFFFF  }
0xc3: {  	_ =	shalt  }
tec
execute0_lowered:
.L_overlay_start_1:
0x0: {  	(tag) =	ssettag $0x1  }
0x1: {  	s5 =	rddreg [dreg:$0x0]  }
0x2: {  	s2 =	rddreg [dreg:$0x1]  }
0x3: {  	s0 =	srdreg.scid;
	s1 =	rddreg [dreg:$0x2]  }
0x4: {  	s3 =	simm.s32 $0x0;
	s11 =	simm.s32 $0x2;
	s6 =	sand.u32 $0x1, s0  }
0x5: {  	s12 =	simm.s32 $0x5000;
	s0 =	stileid.u32;
	s4 =	smul.u32 $0x27800, s6  }
0x6: {  	s13 =	simm.s32 $0x5080;
	s14 =	simm.s32 $0x80;
	s7 =	smul.u32 $0x2780, s0  }
0x7: {  	s15 =	simm.s32 $0x5100;
	s16 =	simm.s32 $0x1;
	s8 =	smul.u32 $0x500, s0  }
0x8: {  	s19 =	simm.s32 $0x0;
	[smem:$0x7FF] =	sst s3;
	s30 =	smul.u32 $0x5000, s6  }
0x9: {  	s10 =	smul.u32 $0xA000, s0;
	s6 =	ssub.s32 $0x2, s6;
	s17 =	sshll.u32 s0, $0x6  }
0xa: {  	_ =	strace $0x8000004D;
	s31 =	sshrl.u32 s6, $0x1;
	s17 =	sor.u32 $0x1C02, s17  }
0xb: {  	s4 =	sadd.s32 s7, s4;
	s7 =	sadd.s32 s8, s30;
	s10 =	sshrl.u32 s10, $0x2  }
0xc: {  	s8 =	ssub.s32 s6, s31;
	s9 =	sshrl.u32 s4, $0x3;
	s4 =	sadd.s32 $0xB200, s5  }
0xd: {  	s7 =	sadd.s32 s7, s5;
	s9 =	sadd.s32 s9, s5;
	s5 =	sadd.s32 s10, s2  }
0xe: {  	s6 =	sadd.s32 $0x1F000, s7;
	s7 =	smax.u32 s8, $0x1;
	s10 =	simm.s32 $0x2800  }
0xf: {  	v0 =	vimm.f32 $0.0e+00;
	s8 =	sadd.s32 $0x1400, s9;
	s9 =	sadd.s32 $0x15200, s9;
	s18 =	sshrl.u32 s5, $0x3  }
.LBB2_1:
0x10: {  	s20 =	simm.s32 $0x40;
	s21 =	simm.s32 $0x0  }
.LBB2_2:
0x11: {  	p0 =	sne.s32 s20, $0x9FC0;
	[tilespmem:s21+$0x2800] =	vst v0;
	s21 =	smov.u32 s20;
	s20 =	sadd.s32 $0x40, s20  }
.Ltmp0:
0x12: {  	(pc) =	sbr.rel @p0 .LBB2_2-.Ltmp0, $2  }
0x13: {  	_ =	sdelay $0x2  }
0x14: {  	s21 =	sshra.s32 s21, $0x2  }
0x15: {  	[tilespmem:s21+$0x2800] =	vst v0  }
0x16: {  	[spmem:s5] =	stream.linear.scatter [tilespmem:s10], [sflag:$0x2], $0x2800, $0x38;
	[tilespmem:$0x5900] =	vst v63  }
0x17: {  	_ =	swait.ge [sflag:s11], $0x2800  }
0x18: {  	[sflag:s11] =	ssyncset.done $0x0  }
0x19: {  	[sflag:s11] =	ssyncadd.s32 $0xFFFFD800  }
0x1a: {  	s20 =	sadd.s32 $0x0, s9;
	[bflag:$0x0] =	sbarrier.arrive $0xFFFF  }
0x1b: {  	[tilespmem:s12], [sflag:$0x2] =	stream.linear.gather [hbm4b:s20+s3], $0x80, $0x38;
	[tilespmem:$0x5900] =	vst v63  }
0x1c: {  	_ =	swait.ge [sflag:s11], $0x80  }
0x1d: {  	[sflag:s11] =	ssyncset.done $0x0  }
0x1e: {  	s31 =	sadd.s32 $0x0, s8;
	[sflag:s11] =	ssyncadd.s32 $0xFFFFFF80  }
0x1f: {  	[tilespmem:s13], [sflag:$0x2] =	stream.linear.gather [hbm4b:s31+s3], $0x80, $0x38;
	[tilespmem:$0x5900] =	vst v63  }
0x20: {  	_ =	swait.ge [sflag:s11], $0x80  }
0x21: {  	[sflag:s11] =	ssyncset.done $0x0  }
0x22: {  	[sflag:s11] =	ssyncadd.s32 $0xFFFFFF80  }
0x23: {  	[tilespmem:s15], [sflag:$0x1] =	stream.indirect.gather [hbm4b:s4+s14], $0x10, s12, s14, $0xb8;
	[tilespmem:$0x5900] =	vst v63  }
0x24: {  	_ =	swait.ge [sflag:s16], $0x800  }
0x25: {  	[sflag:s16] =	ssyncset.done $0x0  }
0x26: {  	[sflag:s16] =	ssyncadd.s32 $0xFFFFF800  }
0x27: {  	[spmem:s2] =	stream.indirect.scatter.add.f32 [tilespmem:s15], [sflag:$0x2], $0x10, s13, s14, $0xb8;
	[tilespmem:$0x5900] =	vst v63  }
0x28: {  	_ =	swait.ge [sflag:s11], $0x800  }
0x29: {  	s21 =	simm.s32 $0x20;
	s20 =	simm.s32 $0x10;
	[sflag:s11] =	ssyncset.done $0x0  }
.LBB2_4:
0x2a: {  	s22 =	sadd.s32 s20, s9  }
0x2b: {  	[sflag:s11] =	ssyncadd.s32 $0xFFFFF800;
	s23 =	smov.u32 s21;
	s24 =	sadd.s32 $0x10, s21  }
0x2c: {  	[tilespmem:s12], [sflag:$0x2] =	stream.linear.gather [hbm4b:s22+s3], $0x80, $0x38;
	[tilespmem:$0x5900] =	vst v63  }
0x2d: {  	p0 =	sne.s32 s21, $0x4E0;
	_ =	swait.ge [sflag:s11], $0x80  }
0x2e: {  	[sflag:s11] =	ssyncset.done $0x0  }
0x2f: {  	s21 =	sadd.s32 s20, s8;
	s20 =	smov.u32 s23;
	[sflag:s11] =	ssyncadd.s32 $0xFFFFFF80  }
0x30: {  	[tilespmem:s13], [sflag:$0x2] =	stream.linear.gather [hbm4b:s21+s3], $0x80, $0x38;
	[tilespmem:$0x5900] =	vst v63  }
0x31: {  	_ =	swait.ge [sflag:s11], $0x80  }
0x32: {  	[sflag:s11] =	ssyncset.done $0x0  }
0x33: {  	[sflag:s11] =	ssyncadd.s32 $0xFFFFFF80  }
0x34: {  	[tilespmem:s15], [sflag:$0x1] =	stream.indirect.gather [hbm4b:s4+s14], $0x10, s12, s14, $0xb8;
	[tilespmem:$0x5900] =	vst v63  }
0x35: {  	_ =	swait.ge [sflag:s16], $0x800  }
.Ltmp1:
0x36: {  	[sflag:s16] =	ssyncset.done $0x0;
	(pc) =	sbr.rel @p0 .LBB2_4-.Ltmp1, $4  }
0x37: {  	[sflag:s16] =	ssyncadd.s32 $0xFFFFF800  }
0x38: {  	[spmem:s2] =	stream.indirect.scatter.add.f32 [tilespmem:s15], [sflag:$0x2], $0x10, s13, s14, $0xb8;
	[tilespmem:$0x5900] =	vst v63  }
0x39: {  	_ =	swait.ge [sflag:s11], $0x800  }
0x3a: {  	s21 =	smov.u32 s24;
	[sflag:s11] =	ssyncset.done $0x0  }
0x3b: {  	s21 =	sadd.s32 s20, s9;
	[sflag:s11] =	ssyncadd.s32 $0xFFFFF800  }
0x3c: {  	[tilespmem:s12], [sflag:$0x2] =	stream.linear.gather [hbm4b:s21+s3], $0x80, $0x38;
	[tilespmem:$0x5900] =	vst v63  }
0x3d: {  	_ =	swait.ge [sflag:s11], $0x80  }
0x3e: {  	[sflag:s11] =	ssyncset.done $0x0  }
0x3f: {  	s31 =	sadd.s32 s20, s8;
	[sflag:s11] =	ssyncadd.s32 $0xFFFFFF80  }
0x40: {  	[tilespmem:s13], [sflag:$0x2] =	stream.linear.gather [hbm4b:s31+s3], $0x80, $0x38;
	[tilespmem:$0x5900] =	vst v63  }
0x41: {  	_ =	swait.ge [sflag:s11], $0x80  }
0x42: {  	[sflag:s11] =	ssyncset.done $0x0  }
0x43: {  	[sflag:s11] =	ssyncadd.s32 $0xFFFFFF80  }
0x44: {  	[tilespmem:s15], [sflag:$0x1] =	stream.indirect.gather [hbm4b:s4+s14], $0x10, s12, s14, $0xb8;
	[tilespmem:$0x5900] =	vst v63  }
0x45: {  	_ =	swait.ge [sflag:s16], $0x800  }
0x46: {  	[sflag:s16] =	ssyncset.done $0x0  }
0x47: {  	[sflag:s16] =	ssyncadd.s32 $0xFFFFF800  }
0x48: {  	[spmem:s2] =	stream.indirect.scatter.add.f32 [tilespmem:s15], [sflag:$0x2], $0x10, s13, s14, $0xb8;
	[tilespmem:$0x5900] =	vst v63  }
0x49: {  	_ =	swait.ge [sflag:s11], $0x800  }
0x4a: {  	s19 =	sadd.s32 $0x1, s19;
	[sflag:s11] =	ssyncset.done $0x0  }
0x4b: {  	p0 =	sne.s32 s19, s7;
	[sflag:s11] =	ssyncadd.s32 $0xFFFFF800  }
.Ltmp2:
0x4c: {  	[bflag:$0x0] =	sbarrier.arrive $0xFFFF;
	(pc) =	sbr.rel @p0 .LBB2_1-.Ltmp2, $4  }
0x4d: {  	[hbm:s6], [sflag:s17] =	dma.local [spmem:s18], $0x500  }
0x4e: {  	_ =	swait.ge [sflag:s11], $0x500  }
0x4f: {  	[sflag:s11] =	ssyncset.done $0x0  }
0x50: {  	[sflag:s11] =	ssyncadd.s32 $0xFFFFFB00  }
0x51: {  	_ =	sfence.sel $0x180000  }
0x52: {  	[bflag:$0x0] =	sbarrier.arrive $0xFFFF  }
0x53: {  	p0 =	sne.s32 s0, $0x0;
	_ =	strace $0x9000004D  }
0x54: {  	s0 =	sadd.s32 @!p0 $0x100000, s1;
	[bflag:$0x2] =	sbarrier.arrive $0xFFFF  }
0x55: {  	[sflag:s0] =	ssyncadd.tile.s32 @!p0 $0x1;
	_ =	shalt  }
.Lfunc_end2:
_tile_overlayer_lowered:
.L_overlay_start_2:
0x56: {  	(tag) =	ssettag $0x2  }
0x57: {  	s0 =	rddreg [dreg:$0x0];
	s2 =	stileid.u32  }
0x58: {  	s1 =	rddreg [dreg:$0x1];
	p0 =	sne.s32 s2, $0x0  }
0x59: {  	s3 =	rddreg [dreg:$0x2];
	[bflag:$0x3] =	sbarrier.arrive $0xFFFF;
	s2 =	simm.s32 @!p0 $0x1C02  }
0x5a: {  	[timem:s3], [sflag:s2] =	dma.local @!p0 [hbm:s0], s1  }
0x5b: {  	s0 =	simm.s32 @!p0 $0x2  }
0x5c: {  	_ =	swait.ge @!p0 [sflag:s0], s1  }
0x5d: {  	s1 =	ssub.s32 @!p0 $0x0, s1;
	[sflag:s0] =	ssyncset.done @!p0 $0x0  }
0x5e: {  	[sflag:s0] =	ssyncadd.s32 @!p0 s1  }
0x5f: {  	[bflag:$0x3] =	sbarrier.arrive $0xFFFF  }
0x60: {  	_ =	shalt  }

// kernel: kernel.8.cloned.1.call-start
scs
__scs_entry_jumppad:
0x0: {  	(pc) =	sbr.rel $0x88, $3  }
0x1: {  	(tag) =	ssettag $0x0;
	lr =	simm.s32 $0x1  }
0x2: {  	[smem:$0x3F9B] =	sst lr;
	_ =	strace $0xD0000000  }
0x3: {  	_ = 	snop  }
0x4: {  	_ = 	snop  }
0x5: {  	_ = 	snop  }
0x6: {  	_ = 	snop  }
0x7: {  	_ = 	snop  }
__scs_overlays_trampoline_lowered:
0x8: {  	[smem:$0x3FAA] =	sst s0  }
0x9: {  	[smem:$0x3FAB] =	sst s1  }
0xa: {  	[smem:$0x3FAC] =	sst s2  }
0xb: {  	[smem:$0x3FAD] =	sst s3  }
0xc: {  	[smem:$0x3FAE] =	sst s4  }
0xd: {  	[smem:$0x3FAF] =	sst s5  }
0xe: {  	[smem:$0x3FB0] =	sst s6  }
0xf: {  	[smem:$0x3FB1] =	sst s7  }
0x10: {  	[smem:$0x3FB2] =	sst s8  }
0x11: {  	[smem:$0x3FB3] =	sst s9;
	s0 =	simm.s32 @!p0 $0x0  }
0x12: {  	s1 =	sld [smem:$0x3F99];
	s0 =	simm.s32 @p0 $0x1  }
0x13: {  	[smem:$0x3FB4] =	sst s0;
	s0 =	simm.s32 @!p1 $0x0  }
0x14: {  	s2 =	sld [smem:$0x3F98];
	s0 =	simm.s32 @p1 $0x1  }
0x15: {  	[smem:$0x3FB5] =	sst s0;
	s0 =	simm.s32 @!p2 $0x0  }
0x16: {  	s3 =	sld [smem:$0x3FDB];
	s0 =	simm.s32 @p2 $0x1  }
0x17: {  	s4 =	simm.s32 $0x1BF5;
	[smem:$0x3FB7] =	sst s0  }
0x18: {  	s0 =	sld [smem:$0x3F9A];
	_ =	swait.ge [sflag:s4], $0x0  }
0x19: {  	s7 =	sld [smem:$0x3F9B]  }
0x1a: {  	s8 =	sadd.s32 $0xFFFFE003, lr  }
0x1b: {  	s9 =	sadd.s32 $0xFFFFFEF7, lr;
	s5 =	simm.s32 $0xFFFFFFFF;
	p2 =	slt.u32 s8, $0xFFFFF086  }
0x1c: {  	p1 =	slt.u32 s9, $0xF7A;
	s5 =	simm.s32 @!p2 $0x0  }
0x1d: {  	s5 =	simm.s32 @p1 $0x1;
	p0 =	seq.s32 s7, s2  }
0x1e: {  	s7 =	smul.u32 @!p0 $0xF7A, s2;
	p2 =	seq.s32 @!p0 s5, $0x0  }
0x1f: {  	s9 =	smul.u32 $0xF7A, s1;
	s8 =	simm.s32 @!p0 $0x1BF5;
	p2 =	por !p2, p0  }
0x20: {  	[sflag:s8] =	ssyncset.s32 @!p0 $0xFFFFF086;
	s6 =	sadd.s32 @!p0 s3, s7;
	s7 =	simm.s32 @!p0 $0x108  }
0x21: {  	s3 =	sadd.s32 s3, s9;
	s6 =	sadd.s32 @!p0 $0x88, s6;
	s7 =	simm.s32 @p2 $0x1082  }
0x22: {  	[simem:s7], [sflag:s8] =	dma.local @!p0 [hbm:s6], $0xF7A  }
0x23: {  	s9 =	sor.u32 $0xD0000000, s2;
	s6 =	simm.s32 $0x108;
	_ =	swait.ge @!p0 [sflag:s8], $0x0  }
0x24: {  	s3 =	sadd.s32 $0x88, s3;
	s6 =	simm.s32 @!p1 $0x1082;
	[sflag:s4] =	ssyncset.s32 $0xFFFFF086  }
0x25: {  	[simem:s6], [sflag:s4] =	dma.local [hbm:s3], $0xF7A  }
0x26: {  	[smem:$0x3F9B] =	sst s1;
	(tag) =	ssettag s2;
	_ =	strace s9  }
0x27: {  	s1 =	sld [smem:$0x3FAB]  }
0x28: {  	s2 =	sld [smem:$0x3FAC]  }
0x29: {  	s4 =	sld [smem:$0x3FAE]  }
0x2a: {  	p0 =	seq.s32 s5, $0x0;
	s5 =	sld [smem:$0x3FAF]  }
0x2b: {  	s6 =	sld [smem:$0x3FB0]  }
0x2c: {  	s7 =	sld [smem:$0x3FB1]  }
0x2d: {  	s3 =	simm.s32 $0x108;
	s8 =	sld [smem:$0x3FB2]  }
0x2e: {  	s3 =	simm.s32 @!p0 $0x1082;
	s9 =	sld [smem:$0x3FB3]  }
0x2f: {  	lr =	sadd.s32 s0, s3;
	s0 =	sld [smem:$0x3FAA]  }
0x30: {  	s3 =	sld [smem:$0x3FAD]  }
0x31: {  	[smem:$0x3FB6] =	sst s10  }
0x32: {  	s10 =	sld [smem:$0x3FB4];
	_ =	sdelay $0x3  }
0x33: {  	p0 =	seq.s32 s10, $0x1;
	s10 =	sld [smem:$0x3FB6];
	_ =	sdelay $0x3  }
0x34: {  	[smem:$0x3FB6] =	sst s10  }
0x35: {  	s10 =	sld [smem:$0x3FB5];
	_ =	sdelay $0x3  }
0x36: {  	p1 =	seq.s32 s10, $0x1;
	s10 =	sld [smem:$0x3FB6];
	_ =	sdelay $0x3  }
0x37: {  	[smem:$0x3FB6] =	sst s10  }
0x38: {  	s10 =	sld [smem:$0x3FB7]  }
0x39: {  	_ = 	snop;
	(pc) =	sbr.ind lr, $3  }
0x3a: {  	_ = 	snop  }
0x3b: {  	_ = 	snop  }
0x3c: {  	p2 =	seq.s32 s10, $0x1;
	s10 =	sld [smem:$0x3FB6]  }
0x3d: {  	_ =	shalt  }
0x3e: {  	_ =	shalt  }
0x3f: {  	_ =	shalt  }
0x40: {  	_ =	shalt  }
0x41: {  	_ =	shalt  }
0x42: {  	_ =	shalt  }
0x43: {  	_ =	shalt  }
0x44: {  	_ =	shalt  }
0x45: {  	_ =	shalt  }
0x46: {  	_ =	shalt  }
0x47: {  	_ =	shalt  }
0x48: {  	_ =	shalt  }
0x49: {  	_ =	shalt  }
0x4a: {  	_ =	shalt  }
0x4b: {  	_ =	shalt  }
0x4c: {  	_ =	shalt  }
0x4d: {  	_ =	shalt  }
0x4e: {  	_ =	shalt  }
0x4f: {  	_ =	shalt  }
0x50: {  	_ =	shalt  }
0x51: {  	_ =	shalt  }
0x52: {  	_ =	shalt  }
0x53: {  	_ =	shalt  }
0x54: {  	_ =	shalt  }
0x55: {  	_ =	shalt  }
0x56: {  	_ =	shalt  }
0x57: {  	_ =	shalt  }
0x58: {  	_ =	shalt  }
0x59: {  	_ =	shalt  }
0x5a: {  	_ =	shalt  }
0x5b: {  	_ =	shalt  }
0x5c: {  	_ =	shalt  }
0x5d: {  	_ =	shalt  }
0x5e: {  	_ =	shalt  }
0x5f: {  	_ =	shalt  }
0x60: {  	_ =	shalt  }
0x61: {  	_ =	shalt  }
0x62: {  	_ =	shalt  }
0x63: {  	_ =	shalt  }
0x64: {  	_ =	shalt  }
0x65: {  	_ =	shalt  }
0x66: {  	_ =	shalt  }
0x67: {  	_ =	shalt  }
0x68: {  	_ =	shalt  }
0x69: {  	_ =	shalt  }
0x6a: {  	_ =	shalt  }
0x6b: {  	_ =	shalt  }
0x6c: {  	_ =	shalt  }
0x6d: {  	_ =	shalt  }
0x6e: {  	_ =	shalt  }
0x6f: {  	_ =	shalt  }
0x70: {  	_ =	shalt  }
0x71: {  	_ =	shalt  }
0x72: {  	_ =	shalt  }
0x73: {  	_ =	shalt  }
0x74: {  	_ =	shalt  }
0x75: {  	_ =	shalt  }
0x76: {  	_ =	shalt  }
0x77: {  	_ =	shalt  }
0x78: {  	_ =	shalt  }
0x79: {  	_ =	shalt  }
0x7a: {  	_ =	shalt  }
0x7b: {  	_ =	shalt  }
0x7c: {  	_ =	shalt  }
0x7d: {  	_ =	shalt  }
0x7e: {  	_ =	shalt  }
0x7f: {  	_ =	shalt  }
0x80: {  	_ =	shalt  }
0x81: {  	_ =	shalt  }
0x82: {  	_ =	shalt  }
0x83: {  	_ =	shalt  }
0x84: {  	_ =	shalt  }
0x85: {  	_ =	shalt  }
0x86: {  	_ =	shalt  }
0x87: {  	_ =	shalt  }
.Lfunc_end0:
.L_simem_size_0:
called_computation_lowered:
.L_overlay_start_0:
0x88: {  	s2 =	sld [smem:$0x3FD9]  }
0x89: {  	s3 =	sld [smem:$0x3FFE];
	_ =	sdelay $0x1  }
0x8a: {  	s1 =	srdreg.scid  }
0x8b: {  	s0 =	sand.u32 $0x1, s1  }
0x8c: {  	s16 =	sshll.u32 s0, $0xA;
	s2 =	sadd.s32 s3, s2  }
0x8d: {  	s2 =	sadd.s32 s2, s16  }
0x8e: {  	[smem:$0x3FC2] =	sst s2  }
0x8f: {  	_ = 	snop  }
0x90: {  	(tm) =	ssettm $0x1  }
0x91: {  	s17 =	sld [smem:$0x3FFB];
	_ =	sdelay $0x3  }
0x92: {  	_ =	strace s17  }
0x93: {  	s2 =	sld [smem:$0x3FFC];
	_ =	sdelay $0x3  }
0x94: {  	_ =	strace s2  }
0x95: {  	s2 =	sld [smem:$0x3FFD];
	_ =	sdelay $0x3  }
0x96: {  	_ =	strace s2  }
0x97: {  	_ =	strace $0x8FFFFFFF  }
0x98: {  	s18 =	sld [smem:$0x3FDB];
	_ =	sdelay $0x1  }
0x99: {  	s19 =	simm.s32 $_scs_section_size  }
0x9a: {  	s4 =	simm.s32 $_size__tile_overlayer_lowered;
	s5 =	simm.s32 $_tile_overlayer_lowered  }
0x9b: {  	s22 =	simm.s32 $0x1BFF;
	s21 =	sshll.u32 s5, $0x1;
	s2 =	sadd.s32 s19, s18  }
0x9c: {  	s6 =	simm.s32 $0x0;
	s20 =	sshll.u32 s4, $0x1;
	s4 =	sadd.s32 s21, s2  }
0x9d: {  	[timem:s6], [sflag:s22] =	dma.local [hbm:s4], s20  }
0x9e: {  	_ =	swait.ge [sflag:s22], s20  }
0x9f: {  	s3 =	ssub.s32 $0x0, s20;
	[sflag:s22] =	ssyncset.done $0x0  }
0xa0: {  	[sflag:s22] =	ssyncadd.s32 s3;
	_ =	sdelay $0x1  }
0xa1: {  	s23 =	simm.s32 $0x1B8B  }
0xa2: {  	_ =	swait.ge [sflag:s23], $0x1  }
0xa3: {  	[sflag:s23] =	ssyncset.done $0x0  }
0xa4: {  	s25 =	simm.s32 $0x1B8E;
	s24 =	sld [smem:$0x3FFE];
	[sflag:s23] =	ssyncadd.s32 $0xFFFFFFFF  }
0xa5: {  	s26 =	simm.s32 $execute0_lowered;
	[smem:$0x3FD2] =	sst s25  }
0xa6: {  	s4 =	sshll.u32 s26, $0x1;
	_ =	strace $0x80000046;
	[dreg:$0x1] =	wrdreg $0xFFFFFFFF  }
0xa7: {  	s28 =	simm.s32 $_size_execute0_lowered;
	s2 =	sadd.s32 s2, s4;
	[dreg:$0x0] =	wrdreg $0x0  }
0xa8: {  	s4 =	sshll.u32 s28, $0x1;
	[dreg:$0x2] =	wrdreg s2  }
0xa9: {  	[dreg:$0x3] =	wrdreg s4  }
0xaa: {  	[dreg:$0x4] =	wrdreg $0xC0  }
0xab: {  	_ =	task [dreg:s6], $0x5FFFF  }
0xac: {  	[dreg:$0x1] =	wrdreg $0xFFFFFFFF  }
0xad: {  	[dreg:$0x0] =	wrdreg $0x60  }
0xae: {  	[dreg:$0x2] =	wrdreg s24  }
0xaf: {  	[dreg:$0x3] =	wrdreg $0x9  }
0xb0: {  	_ =	task.clear_ibuf [dreg:s6], $0x4FFFF;
	_ =	strace $0x90000046  }
0xb1: {  	s29 =	simm.s32 $0x9;
	_ =	strace $0x80000048  }
0xb2: {  	_ =	swait.ge [sflag:s29], $0x1  }
0xb3: {  	[sflag:s29] =	ssyncadd.s32 $0xFFFFFFFF  }
0xb4: {  	_ =	strace $0x90000048  }
0xb5: {  	_ =	sfence  }
0xb6: {  	s30 =	sld [smem:$0x0];
	_ =	sdelay $0x2  }
0xb7: {  	s31 =	sshll.u32 s1, $0xD;
	s1 =	sshrl.u32 s1, $0x2  }
0xb8: {  	s3 =	sand.u32 $0x4000, s31;
	s1 =	sadd.s32 s1, s30  }
0xb9: {  	s0 =	sor.u32 s3, s0;
	s1 =	sshll.u32 s1, $0x11  }
0xba: {  	s0 =	sor.u32 s1, s0  }
0xbb: {  	s0 =	sadd.s32 $0x8F2B, s0  }
0xbc: {  	[sflag:s0] =	ssyncadd.remote.s32 $0x1  }
0xbd: {  	_ =	sfence.sel $0xFFFF  }
0xbe: {  	[dreg:$0x0] =	wrdreg $0xFFFFFFFF;
	(pc) =	sbr.abs _section_cstart, $3  }
0xbf: {  	[dreg:$0x1] =	wrdreg $0xFFFFFFFF  }
0xc0: {  	_ =	task.clear_ibuf [dreg:s6], $0x2FFFF;
	_ =	strace $0x9FFFFFFF  }
0xc1: {  	(tm) =	ssettm $0x7FFFFFFF  }
tec
execute0_lowered:
.L_overlay_start_1:
0x0: {  	(tag) =	ssettag $0x1  }
0x1: {  	s0 =	srdreg.scid  }
0x2: {  	s3 =	sand.u32 $0x1, s0  }
0x3: {  	s4 =	rddreg [dreg:$0x0];
	s0 =	stileid.u32;
	s1 =	sshll.u32 s3, $0x4  }
0x4: {  	s2 =	simm.s32 $0x0;
	s8 =	simm.s32 $0x0;
	s5 =	sor.u32 s0, s1  }
0x5: {  	[smem:$0x7FF] =	sst s2;
	s3 =	ssub.s32 $0x2, s3;
	s6 =	smul.u32 $0x4F0, s5  }
0x6: {  	s1 =	rddreg [dreg:$0x1];
	s7 =	sshrl.u32 s3, $0x1;
	s5 =	smul.u32 $0x500, s5  }
0x7: {  	_ =	strace $0x80000047;
	s31 =	ssub.s32 s3, s7;
	s7 =	simm.s32 $0x1  }
0x8: {  	s6 =	sadd.s32 s6, s4;
	s4 =	sadd.s32 s5, s4;
	s5 =	smax.u32 s31, $0x1  }
0x9: {  	v0 =	vimm.f32 $0.0e+00;
	v1 =	vimm.f32 $1.000000000e+00;
	s3 =	sadd.s32 $0x1400, s6;
	s4 =	sadd.s32 $0xB200, s4;
	s6 =	simm.s32 $0x2800  }
.LBB2_1:
0xa: {  	s9 =	simm.s32 $0x40;
	s10 =	simm.s32 $0x0  }
.LBB2_2:
0xb: {  	p0 =	sne.s32 s9, $0x9FC0;
	[tilespmem:s10+$0x0] =	vst v0;
	s10 =	smov.u32 s9;
	s9 =	sadd.s32 $0x40, s9  }
.Ltmp0:
0xc: {  	(pc) =	sbr.rel @p0 .LBB2_2-.Ltmp0, $2  }
0xd: {  	_ =	sdelay $0x2  }
0xe: {  	s10 =	sshra.s32 s10, $0x2  }
0xf: {  	[tilespmem:s10+$0x0] =	vst v0;
	s9 =	simm.s32 $0x0  }
0x10: {  	[tilespmem:s6], [sflag:$0x1] =	stream.linear.gather [hbm4b:s3+s9], $0x2780, $0x38;
	[tilespmem:$0x4F80] =	vst v63  }
0x11: {  	_ =	swait.ge [sflag:s7], $0x2780  }
0x12: {  	[sflag:s7] =	ssyncset.done $0x0  }
0x13: {  	s10 =	simm.s32 $0x0;
	s9 =	simm.s32 $0x40;
	[sflag:s7] =	ssyncadd.s32 $0xFFFFD880  }
.LBB2_4:
0x14: {  	p0 =	sne.s32 s9, $0x9DC0;
	v2 =	vld [tilespmem:s10+$0x2800];
	_ =	sdelay $0x3  }
.Ltmp1:
0x15: {  	(pc) =	sbr.rel @p0 .LBB2_4-.Ltmp1, $2  }
0x16: {  	_ =	sdelay $0x2  }
0x17: {  	s10 =	sshra.s32 s9, $0x2;
	s9 =	sadd.s32 $0x40, s9;
	[tilespmem:v2+s2+$0x0] =	vst.idx.add.f32.msk $0xffff, v1  }
0x18: {  	v2 =	vld [tilespmem:s10+$0x2800];
	_ =	sdelay $0x5  }
0x19: {  	s8 =	sadd.s32 $0x1, s8  }
0x1a: {  	p0 =	sne.s32 s8, s5  }
.Ltmp2:
0x1b: {  	[tilespmem:v2+s2+$0x0] =	vst.idx.add.f32.msk $0xffff, v1;
	(pc) =	sbr.rel @p0 .LBB2_1-.Ltmp2, $4  }
0x1c: {  	[hbm4b:s4+s2] =	stream.linear.scatter [tilespmem:s2], [sflag:$0x1], $0x2800, $0x38;
	[tilespmem:$0x4F80] =	vst v63  }
0x1d: {  	_ =	swait.ge [sflag:s7], $0x2800  }
0x1e: {  	[sflag:s7] =	ssyncset.done $0x0  }
0x1f: {  	[sflag:s7] =	ssyncadd.s32 $0xFFFFD800  }
0x20: {  	_ =	sfence.sel $0x180000  }
0x21: {  	[bflag:$0x0] =	sbarrier.arrive $0xFFFF  }
0x22: {  	p0 =	sne.s32 s0, $0x0;
	_ =	strace $0x90000047  }
0x23: {  	s0 =	sadd.s32 @!p0 $0x100000, s1;
	[bflag:$0x2] =	sbarrier.arrive $0xFFFF  }
0x24: {  	[sflag:s0] =	ssyncadd.tile.s32 @!p0 $0x1;
	_ =	shalt  }
.Lfunc_end2:
_tile_overlayer_lowered:
.L_overlay_start_2:
0x25: {  	(tag) =	ssettag $0x2  }
0x26: {  	s0 =	rddreg [dreg:$0x0];
	s2 =	stileid.u32  }
0x27: {  	s1 =	rddreg [dreg:$0x1];
	p0 =	sne.s32 s2, $0x0  }
0x28: {  	s3 =	rddreg [dreg:$0x2];
	[bflag:$0x3] =	sbarrier.arrive $0xFFFF;
	s2 =	simm.s32 @!p0 $0x1C01  }
0x29: {  	[timem:s3], [sflag:s2] =	dma.local @!p0 [hbm:s0], s1  }
0x2a: {  	s0 =	simm.s32 @!p0 $0x1  }
0x2b: {  	_ =	swait.ge @!p0 [sflag:s0], s1  }
0x2c: {  	s1 =	ssub.s32 @!p0 $0x0, s1;
	[sflag:s0] =	ssyncset.done @!p0 $0x0  }
0x2d: {  	[sflag:s0] =	ssyncadd.s32 @!p0 s1  }
0x2e: {  	[bflag:$0x3] =	sbarrier.arrive $0xFFFF  }
0x2f: {  	_ =	shalt  }

</sc_bundles>
